<compile_context>
chip_gen: v7x
topology: tpu7x:2x2x1
jax: 0.10.2.dev20260603
libtpu: 0.0.44.dev20260713+nightly
codegen_flags: <defaults>
</compile_context>

<pallas_src>
import jax
import jax.numpy as jnp
from jax import lax
from jax.experimental import pallas as pl
from jax.experimental.pallas import tpu as pltpu
from jax.experimental.pallas import tpu_sc as plsc

B, H, W = 4, 352, 1216
N = H * W
BN = B * N
NSUB = 16
NCORE = 2
NWORK = NSUB * NCORE
SLABS_PER_B = NWORK // B
NS = N // SLABS_PER_B
WINP = 6688
NWIN = N // WINP
VPW = WINP // 16


def _sc_body(lin_hbm, vx_hbm, vy_hbm, vz_hbm, out_hbm,
             plane, linbuf, valbuf, lsem, vsem):
    cidx = lax.axis_index("c")
    sidx = lax.axis_index("s")
    wid = cidx * NSUB + sidx
    b = wid // SLABS_PER_B
    s = wid % SLABS_PER_B
    lo = b * N + s * NS
    lane = lax.broadcasted_iota(jnp.int32, (16,), 0)

    for c, vchan in enumerate((vx_hbm, vy_hbm, vz_hbm)):
        def init_body(i, carry):
            plane[pl.ds(i * 16, 16)] = jnp.zeros((16,), jnp.float32)
            return carry
        lax.fori_loop(0, NS // 16, init_body, None)

        def win_body(w, carry, vchan=vchan):
            pbase = b * N + w * WINP
            cl = pltpu.async_copy(lin_hbm.at[pl.ds(pbase, WINP)], linbuf,
                                  lsem)
            cv = pltpu.async_copy(vchan.at[pl.ds(pbase, WINP)], valbuf,
                                  vsem)
            cl.wait()
            cv.wait()

            def vec_body(i, carry2):
                lvec = linbuf[pl.ds(i * 16, 16)]
                lv = lvec - lo
                valid = (lv >= 0) & (lv < NS)
                _cnt, last = plsc.scan_count(lv, mask=valid)
                m = valid & last
                vvec = valbuf[pl.ds(i * 16, 16)]
                lvc = jnp.where(m, lv, 0)
                plsc.store_scatter(plane, [lvc], vvec, mask=m)
                return carry2
            lax.fori_loop(0, VPW, vec_body, None, unroll=11)
            return carry
        lax.fori_loop(0, NWIN, win_body, None)

        obase = b * (3 * N) + c * N + s * NS
        pltpu.async_copy(plane, out_hbm.at[pl.ds(obase, NS)], lsem).wait()


@jax.jit
def _sc_scatter(lin, vx, vy, vz):
    mesh = plsc.VectorSubcoreMesh(core_axis_name="c", subcore_axis_name="s")
    f = pl.kernel(
        _sc_body,
        out_type=jax.ShapeDtypeStruct((B * 3 * N,), jnp.float32),
        mesh=mesh,
        compiler_params=pltpu.CompilerParams(
            needs_layout_passes=False, use_tc_tiling_on_sc=False),
        scratch_types=[
            pltpu.VMEM((NS,), jnp.float32),
            pltpu.VMEM((WINP,), jnp.int32),
            pltpu.VMEM((WINP,), jnp.float32),
            pltpu.SemaphoreType.DMA,
            pltpu.SemaphoreType.DMA,
        ],
    )
    return f(lin, vx, vy, vz)


def kernel(xyz_grid, flow_grid, mask_grid, K):
    Bb, _, Hh, Ww = xyz_grid.shape
    n = Hh * Ww
    xyz_flat = xyz_grid.reshape(Bb, 3, n)
    flow_flat = flow_grid.reshape(Bb, 3, n)
    xyz_flowed = xyz_flat + flow_flat
    mask_flat = mask_grid.reshape(Bb, n)
    uvb = jnp.einsum('bij,bjn->bin', K, xyz_flowed)
    denom = jnp.clip(jnp.abs(uvb[:, 2:3, :]), 1e-6, None)
    uvb1 = jnp.round(uvb / denom)
    u = uvb1[:, 0]
    v = uvb1[:, 1]
    inview = ((u > 0) & (u < Ww) & (v > 0) & (v < Hh)
              & (xyz_flowed[:, 2] > 0.1) & mask_flat)
    ui = jnp.clip(u, 0, Ww - 1).astype(jnp.int32)
    vi = jnp.clip(v, 0, Hh - 1).astype(jnp.int32)
    bidx = jnp.arange(Bb, dtype=jnp.int32)[:, None]
    lin = jnp.where(inview, bidx * n + vi * Ww + ui, Bb * n)
    lin = lin.reshape(Bb * n).astype(jnp.int32)
    vx = xyz_flowed[:, 0, :].reshape(Bb * n)
    vy = xyz_flowed[:, 1, :].reshape(Bb * n)
    vz = xyz_flowed[:, 2, :].reshape(Bb * n)
    out_flat = _sc_scatter(lin, vx, vy, vz)
    return out_flat.reshape(Bb, 3, Hh, Ww)

# --- scband reference (transcript-rebuilt; emitter-appended) ---
"""Pipeline reference for scband-c3-dloss-39281770889277 (READ-ONLY COPY).

The authoritative reference and input builder live on the scoring server;
editing this copy changes nothing except your own understanding.
"""

import jax, jax.numpy as jnp
import numpy as np

B, H, W = 4, 352, 1216


def setup_inputs(seed: int = 0) -> dict:
    key = jax.random.key(seed)
    k1, k2, k3 = jax.random.split(key, 3)
    fx = fy = 720.0
    cx = W / 2.0
    cy = H / 2.0
    us = jnp.arange(W, dtype=jnp.float32)
    vs = jnp.arange(H, dtype=jnp.float32)
    uu, vv = jnp.meshgrid(us, vs)  # [H, W]
    xn = (uu - cx) / fx
    yn = (vv - cy) / fy
    z = jax.random.uniform(k1, (B, 1, H, W), minval=1.0, maxval=60.0)
    xyz_grid = jnp.concatenate([xn[None, None] * z, yn[None, None] * z, z], axis=1)  # [B,3,H,W]
    flow_grid = jax.random.normal(k2, (B, 3, H, W), dtype=jnp.float32) * 0.5
    mask_grid = jax.random.randint(k3, (B, 1, H, W), 0, 2).astype(bool)
    Kmat = jnp.array([[fx, 0.0, cx], [0.0, fy, cy], [0.0, 0.0, 1.0]], dtype=jnp.float32)
    K = jnp.tile(Kmat[None], (B, 1, 1))
    return {"xyz_grid": xyz_grid, "flow_grid": flow_grid, "mask_grid": mask_grid, "K": K}


def _forward(xyz_grid, flow_grid, K, mask_grid):
    Bb, _, Hh, Ww = xyz_grid.shape
    N = Hh * Ww
    xyz_flat = xyz_grid.reshape(Bb, 3, N)
    flow_flat = flow_grid.reshape(Bb, 3, N)
    # torch: flow u,v components detached, z component kept differentiable
    flow_flat = jnp.concatenate([jax.lax.stop_gradient(flow_flat[:, :2]), flow_flat[:, 2:]], axis=1)
    # torch: xyz detached before adding flow
    xyz_flowed = jax.lax.stop_gradient(xyz_flat) + flow_flat  # [B,3,N]
    mask_flat = mask_grid.reshape(Bb, N)
    # project flowed points: uvb = K @ xyz
    uvb = jnp.einsum('bij,bjn->bin', K, xyz_flowed)
    denom = jnp.clip(jnp.abs(uvb[:, 2:3, :]), 1e-6, None)
    uvb1 = jnp.round(uvb / denom)
    u = uvb1[:, 0]
    v = uvb1[:, 1]
    inview = (u > 0) & (u < Ww) & (v > 0) & (v < Hh) & (xyz_flowed[:, 2] > 0.1) & mask_flat
    ui = jnp.clip(u, 0, Ww - 1).astype(jnp.int32)
    vi = jnp.clip(v, 0, Hh - 1).astype(jnp.int32)
    bidx = jnp.arange(Bb, dtype=jnp.int32)[:, None]
    lin = bidx * N + vi * Ww + ui  # [B,N] linear destination index
    lin = jnp.where(inview, lin, Bb * N)  # out-of-bounds sentinel -> dropped
    vals = jnp.where(inview[:, None, :], xyz_flowed, 0.0)  # [B,3,N]
    vals2 = vals.transpose(1, 0, 2).reshape(3, Bb * N)
    lin2 = lin.reshape(Bb * N)
    # grid_from_concat_flat_func: scatter-overwrite flat points into grid
    grid_flat = jnp.zeros((3, Bb * N), dtype=xyz_grid.dtype).at[:, lin2].set(vals2, mode='drop')
    xyz_flowed_grid = grid_flat.reshape(3, Bb, Hh, Ww).transpose(1, 0, 2, 3)
    return xyz_flowed_grid


def reference(xyz_grid, flow_grid, mask_grid, K):
    return _forward(xyz_grid, flow_grid, K, mask_grid)

if __name__ == "__main__":
    import jax
    _d = setup_inputs()
    print(jax.jit(kernel)(*tuple(_d.values())))

</pallas_src>

<mosaic_0001>
#map = affine_map<(d0, d1) -> (0)>
module attributes {stable_mosaic.version = 14 : i64} {
  func.func @_sc_body(%arg0: i32, %arg1: i32, %arg2: memref<1712128xi32, #tpu.memory_space<hbm>>, %arg3: memref<1712128xf32, #tpu.memory_space<hbm>>, %arg4: memref<1712128xf32, #tpu.memory_space<hbm>>, %arg5: memref<1712128xf32, #tpu.memory_space<hbm>>, %arg6: memref<5136384xf32, #tpu.memory_space<hbm>>, %arg7: memref<53504xf32, #tpu.memory_space<vmem>>, %arg8: memref<6688xi32, #tpu.memory_space<vmem>>, %arg9: memref<6688xf32, #tpu.memory_space<vmem>>, %arg10: memref<!tpu.dma_semaphore, #tpu.memory_space<semaphore_mem>>, %arg11: memref<!tpu.dma_semaphore, #tpu.memory_space<semaphore_mem>>) attributes {dimension_semantics = [#tpu.dimension_semantics<core_parallel>, #tpu.dimension_semantics<subcore_parallel>], iteration_bounds = array<i64: 2, 16>, scalar_prefetch = 0 : i64, scratch_operands = 5 : i64, tpu.core_type = #tpu.core_type<sc_vector_subcore>, window_params = [{transform_indices = #map}, {transform_indices = #map}, {transform_indices = #map}, {transform_indices = #map}, {transform_indices = #map}]} {
    %mul3A = arith.constant 16 : i32
    %mul3A_0 = arith.muli %arg0, %mul3A : i32
    %add3A = arith.addi %mul3A_0, %arg1 : i32
    %jit3A = arith.constant 8 : i32
    %div3A = arith.divsi %add3A, %jit3A : i32
    %sign3A = arith.constant 0 : i32
    %sign3A_1 = arith.cmpi sgt, %add3A, %sign3A : i32
    %sign3A_2 = arith.extui %sign3A_1 : i1 to i32
    %sign3A_3 = arith.constant 0 : i32
    %sign3A_4 = arith.cmpi slt, %add3A, %sign3A_3 : i32
    %sign3A_5 = arith.extui %sign3A_4 : i1 to i32
    %sign3A_6 = arith.subi %sign3A_2, %sign3A_5 : i32
    %sign3A_7 = arith.constant 0 : i32
    %sign3A_8 = arith.cmpi sgt, %jit3A, %sign3A_7 : i32
    %sign3A_9 = arith.extui %sign3A_8 : i1 to i32
    %sign3A_10 = arith.constant 0 : i32
    %sign3A_11 = arith.cmpi slt, %jit3A, %sign3A_10 : i32
    %sign3A_12 = arith.extui %sign3A_11 : i1 to i32
    %sign3A_13 = arith.subi %sign3A_9, %sign3A_12 : i32
    %ne3A = arith.cmpi ne, %sign3A_6, %sign3A_13 : i32
    %rem3A = arith.remsi %add3A, %jit3A : i32
    %ne3A_14 = arith.constant 0 : i32
    %ne3A_15 = arith.cmpi ne, %rem3A, %ne3A_14 : i32
    %and3A = arith.andi %ne3A, %ne3A_15 : i1
    %sub3A = arith.constant 1 : i32
    %sub3A_16 = arith.subi %div3A, %sub3A : i32
    %select_n3A = arith.select %and3A, %sub3A_16, %div3A : i32
    %jit3A_17 = arith.constant 8 : i32
    %eq3A = arith.constant 0 : i32
    %eq3A_18 = arith.cmpi eq, %jit3A_17, %eq3A : i32
    %jit3A_19 = arith.constant 1 : i32
    %select_n3A_20 = arith.select %eq3A_18, %jit3A_19, %jit3A_17 : i32
    %rem3A_21 = arith.remsi %add3A, %select_n3A_20 : i32
    %ne3A_22 = arith.constant 0 : i32
    %ne3A_23 = arith.cmpi ne, %rem3A_21, %ne3A_22 : i32
    %lt3A = arith.constant 0 : i32
    %lt3A_24 = arith.cmpi slt, %rem3A_21, %lt3A : i32
    %lt3A_25 = arith.constant 0 : i32
    %lt3A_26 = arith.cmpi slt, %select_n3A_20, %lt3A_25 : i32
    %ne3A_27 = arith.xori %lt3A_24, %lt3A_26 : i1
    %and3A_28 = arith.andi %ne3A_27, %ne3A_23 : i1
    %add3A_29 = arith.addi %rem3A_21, %select_n3A_20 : i32
    %select_n3A_30 = arith.select %and3A_28, %add3A_29, %rem3A_21 : i32
    %mul3A_31 = arith.constant 428032 : i32
    %mul3A_32 = arith.muli %select_n3A, %mul3A_31 : i32
    %mul3A_33 = arith.constant 53504 : i32
    %mul3A_34 = arith.muli %select_n3A_30, %mul3A_33 : i32
    %add3A_35 = arith.addi %mul3A_32, %mul3A_34 : i32
    %iota3A = tpu.iota {dimensions = array<i32: 0>} : vector<16xi32>
    %scan3A = arith.constant 0 : i32
    %scan3A_36 = arith.constant 3344 : i32
    %scan3A_37 = arith.addi %scan3A, %scan3A_36 : i32
    %scan3A_38 = arith.constant 1 : i32
    scf.for %scan3A_96 = %scan3A to %scan3A_37 step %scan3A_38  : i32 {
      %broadcast_in_dim3A = arith.constant 0.000000e+00 : f32
      %broadcast_in_dim3A_97 = vector.broadcast %broadcast_in_dim3A : f32 to vector<16xf32>
      %mul3A_98 = arith.constant 16 : i32
      %mul3A_99 = arith.muli %scan3A_96, %mul3A_98 : i32
      %swap3A = arith.index_cast %mul3A_99 : i32 to index
      %swap3A_100 = tpu.vector_load %arg7[%swap3A] {strides = array<i32>} : memref<53504xf32, #tpu.memory_space<vmem>>, vector<16xf32>,
      tpu.vector_store %arg7[%swap3A], %broadcast_in_dim3A_97 {strides = array<i32>} : memref<53504xf32, #tpu.memory_space<vmem>>, vector<16xf32>,
    }
    %scan3A_39 = arith.constant 3344 : i32
    %scan3A_40 = arith.constant 0 : i32
    %scan3A_41 = arith.constant 64 : i32
    %scan3A_42 = arith.addi %scan3A_40, %scan3A_41 : i32
    %scan3A_43 = arith.constant 1 : i32
    scf.for %scan3A_96 = %scan3A_40 to %scan3A_42 step %scan3A_43  : i32 {
      %mul3A_97 = arith.constant 428032 : i32
      %mul3A_98 = arith.muli %select_n3A, %mul3A_97 : i32
      %mul3A_99 = arith.constant 6688 : i32
      %mul3A_100 = arith.muli %scan3A_96, %mul3A_99 : i32
      %add3A_101 = arith.addi %mul3A_98, %mul3A_100 : i32
      %dma_start3A_102 = tpu.memref_slice %arg2[%add3A_101] : memref<1712128xi32, #tpu.memory_space<hbm>> -> memref<6688xi32, #tpu.memory_space<hbm>>
      %dma_start3A_103 = tpu.memref_slice %arg2[%add3A_101] : memref<1712128xi32, #tpu.memory_space<hbm>> -> memref<6688xi32, #tpu.memory_space<hbm>>
      tpu.enqueue_dma source(%dma_start3A_103 : memref<6688xi32, #tpu.memory_space<hbm>>) target(%arg8 : memref<6688xi32, #tpu.memory_space<vmem>>) target_semaphore(%arg10 : memref<!tpu.dma_semaphore, #tpu.memory_space<semaphore_mem>>)
      %dma_start3A_104 = tpu.memref_slice %arg3[%add3A_101] : memref<1712128xf32, #tpu.memory_space<hbm>> -> memref<6688xf32, #tpu.memory_space<hbm>>
      %dma_start3A_105 = tpu.memref_slice %arg3[%add3A_101] : memref<1712128xf32, #tpu.memory_space<hbm>> -> memref<6688xf32, #tpu.memory_space<hbm>>
      tpu.enqueue_dma source(%dma_start3A_105 : memref<6688xf32, #tpu.memory_space<hbm>>) target(%arg9 : memref<6688xf32, #tpu.memory_space<vmem>>) target_semaphore(%arg11 : memref<!tpu.dma_semaphore, #tpu.memory_space<semaphore_mem>>)
      %dma_wait3A_106 = tpu.memref_slice %arg2[%add3A_101] : memref<1712128xi32, #tpu.memory_space<hbm>> -> memref<6688xi32, #tpu.memory_space<hbm>>
      %dma_wait3A_107 = tpu.memref_slice %arg2[%add3A_101] : memref<1712128xi32, #tpu.memory_space<hbm>> -> memref<6688xi32, #tpu.memory_space<hbm>>
      tpu.wait_dma2 semaphore(%arg10 : memref<!tpu.dma_semaphore, #tpu.memory_space<semaphore_mem>>) src(%dma_wait3A_107 : memref<6688xi32, #tpu.memory_space<hbm>>) dst(%arg8 : memref<6688xi32, #tpu.memory_space<vmem>>)
      %dma_wait3A_108 = tpu.memref_slice %arg3[%add3A_101] : memref<1712128xf32, #tpu.memory_space<hbm>> -> memref<6688xf32, #tpu.memory_space<hbm>>
      %dma_wait3A_109 = tpu.memref_slice %arg3[%add3A_101] : memref<1712128xf32, #tpu.memory_space<hbm>> -> memref<6688xf32, #tpu.memory_space<hbm>>
      tpu.wait_dma2 semaphore(%arg11 : memref<!tpu.dma_semaphore, #tpu.memory_space<semaphore_mem>>) src(%dma_wait3A_109 : memref<6688xf32, #tpu.memory_space<hbm>>) dst(%arg9 : memref<6688xf32, #tpu.memory_space<vmem>>)
      %scan3A_110 = arith.constant 0 : i32
      %scan3A_111 = arith.constant 418 : i32
      %scan3A_112 = arith.addi %scan3A_110, %scan3A_111 : i32
      %scan3A_113 = arith.constant 11 : i32
      scf.for %scan3A_115 = %scan3A_110 to %scan3A_112 step %scan3A_113  : i32 {
        %mul3A_116 = arith.constant 16 : i32
        %mul3A_117 = arith.muli %scan3A_115, %mul3A_116 : i32
        %get3A = arith.index_cast %mul3A_117 : i32 to index
        %get3A_118 = tpu.vector_load %arg8[%get3A] {strides = array<i32>} : memref<6688xi32, #tpu.memory_space<vmem>>, vector<16xi32>,
        %sub3A_119 = vector.broadcast %add3A_35 : i32 to vector<16xi32>
        %sub3A_120 = arith.subi %get3A_118, %sub3A_119 : vector<16xi32>
        %ge3A = arith.constant 0 : i32
        %ge3A_121 = vector.broadcast %ge3A : i32 to vector<16xi32>
        %ge3A_122 = arith.cmpi sge, %sub3A_120, %ge3A_121 : vector<16xi32>
        %lt3A_123 = arith.constant 53504 : i32
        %lt3A_124 = vector.broadcast %lt3A_123 : i32 to vector<16xi32>
        %lt3A_125 = arith.cmpi slt, %sub3A_120, %lt3A_124 : vector<16xi32>
        %and3A_126 = arith.andi %ge3A_122, %lt3A_125 : vector<16xi1>
        %unique3A, %unique3A_127 = tpu.scan_count mask(%and3A_126 : vector<16xi1>) value(%sub3A_120 : vector<16xi32>) : vector<16xi1>, vector<16xi32>
        %and3A_128 = arith.andi %and3A_126, %unique3A : vector<16xi1>
        %mul3A_129 = arith.constant 16 : i32
        %mul3A_130 = arith.muli %scan3A_115, %mul3A_129 : i32
        %get3A_131 = arith.index_cast %mul3A_130 : i32 to index
        %get3A_132 = tpu.vector_load %arg9[%get3A_131] {strides = array<i32>} : memref<6688xf32, #tpu.memory_space<vmem>>, vector<16xf32>,
        %jit3A_133 = arith.constant 0 : i32
        %broadcast_in_dim3A = vector.broadcast %jit3A_133 : i32 to vector<16xi32>
        %select_n3A_134 = arith.select %and3A_128, %sub3A_120, %broadcast_in_dim3A : vector<16xi1>, vector<16xi32>
        tpu.vector_store_idx %arg7[%select_n3A_134], %get3A_132 masked %and3A_128 : memref<53504xf32, #tpu.memory_space<vmem>>[vector<16xi32>], vector<16xf32>, vector<16xi1>
        %scan3A_135 = arith.constant 1 : i32
        %scan3A_136 = arith.addi %scan3A_115, %scan3A_135 : i32
        %mul3A_137 = arith.constant 16 : i32
        %mul3A_138 = arith.muli %scan3A_136, %mul3A_137 : i32
        %get3A_139 = arith.index_cast %mul3A_138 : i32 to index
        %get3A_140 = tpu.vector_load %arg8[%get3A_139] {strides = array<i32>} : memref<6688xi32, #tpu.memory_space<vmem>>, vector<16xi32>,
        %sub3A_141 = vector.broadcast %add3A_35 : i32 to vector<16xi32>
        %sub3A_142 = arith.subi %get3A_140, %sub3A_141 : vector<16xi32>
        %ge3A_143 = arith.constant 0 : i32
        %ge3A_144 = vector.broadcast %ge3A_143 : i32 to vector<16xi32>
        %ge3A_145 = arith.cmpi sge, %sub3A_142, %ge3A_144 : vector<16xi32>
        %lt3A_146 = arith.constant 53504 : i32
        %lt3A_147 = vector.broadcast %lt3A_146 : i32 to vector<16xi32>
        %lt3A_148 = arith.cmpi slt, %sub3A_142, %lt3A_147 : vector<16xi32>
        %and3A_149 = arith.andi %ge3A_145, %lt3A_148 : vector<16xi1>
        %unique3A_150, %unique3A_151 = tpu.scan_count mask(%and3A_149 : vector<16xi1>) value(%sub3A_142 : vector<16xi32>) : vector<16xi1>, vector<16xi32>
        %and3A_152 = arith.andi %and3A_149, %unique3A_150 : vector<16xi1>
        %mul3A_153 = arith.constant 16 : i32
        %mul3A_154 = arith.muli %scan3A_136, %mul3A_153 : i32
        %get3A_155 = arith.index_cast %mul3A_154 : i32 to index
        %get3A_156 = tpu.vector_load %arg9[%get3A_155] {strides = array<i32>} : memref<6688xf32, #tpu.memory_space<vmem>>, vector<16xf32>,
        %jit3A_157 = arith.constant 0 : i32
        %broadcast_in_dim3A_158 = vector.broadcast %jit3A_157 : i32 to vector<16xi32>
        %select_n3A_159 = arith.select %and3A_152, %sub3A_142, %broadcast_in_dim3A_158 : vector<16xi1>, vector<16xi32>
        tpu.vector_store_idx %arg7[%select_n3A_159], %get3A_156 masked %and3A_152 : memref<53504xf32, #tpu.memory_space<vmem>>[vector<16xi32>], vector<16xf32>, vector<16xi1>
        %scan3A_160 = arith.constant 2 : i32
        %scan3A_161 = arith.addi %scan3A_115, %scan3A_160 : i32
        %mul3A_162 = arith.constant 16 : i32
        %mul3A_163 = arith.muli %scan3A_161, %mul3A_162 : i32
        %get3A_164 = arith.index_cast %mul3A_163 : i32 to index
        %get3A_165 = tpu.vector_load %arg8[%get3A_164] {strides = array<i32>} : memref<6688xi32, #tpu.memory_space<vmem>>, vector<16xi32>,
        %sub3A_166 = vector.broadcast %add3A_35 : i32 to vector<16xi32>
        %sub3A_167 = arith.subi %get3A_165, %sub3A_166 : vector<16xi32>
        %ge3A_168 = arith.constant 0 : i32
        %ge3A_169 = vector.broadcast %ge3A_168 : i32 to vector<16xi32>
        %ge3A_170 = arith.cmpi sge, %sub3A_167, %ge3A_169 : vector<16xi32>
        %lt3A_171 = arith.constant 53504 : i32
        %lt3A_172 = vector.broadcast %lt3A_171 : i32 to vector<16xi32>
        %lt3A_173 = arith.cmpi slt, %sub3A_167, %lt3A_172 : vector<16xi32>
        %and3A_174 = arith.andi %ge3A_170, %lt3A_173 : vector<16xi1>
        %unique3A_175, %unique3A_176 = tpu.scan_count mask(%and3A_174 : vector<16xi1>) value(%sub3A_167 : vector<16xi32>) : vector<16xi1>, vector<16xi32>
        %and3A_177 = arith.andi %and3A_174, %unique3A_175 : vector<16xi1>
        %mul3A_178 = arith.constant 16 : i32
        %mul3A_179 = arith.muli %scan3A_161, %mul3A_178 : i32
        %get3A_180 = arith.index_cast %mul3A_179 : i32 to index
        %get3A_181 = tpu.vector_load %arg9[%get3A_180] {strides = array<i32>} : memref<6688xf32, #tpu.memory_space<vmem>>, vector<16xf32>,
        %jit3A_182 = arith.constant 0 : i32
        %broadcast_in_dim3A_183 = vector.broadcast %jit3A_182 : i32 to vector<16xi32>
        %select_n3A_184 = arith.select %and3A_177, %sub3A_167, %broadcast_in_dim3A_183 : vector<16xi1>, vector<16xi32>
        tpu.vector_store_idx %arg7[%select_n3A_184], %get3A_181 masked %and3A_177 : memref<53504xf32, #tpu.memory_space<vmem>>[vector<16xi32>], vector<16xf32>, vector<16xi1>
        %scan3A_185 = arith.constant 3 : i32
        %scan3A_186 = arith.addi %scan3A_115, %scan3A_185 : i32
        %mul3A_187 = arith.constant 16 : i32
        %mul3A_188 = arith.muli %scan3A_186, %mul3A_187 : i32
        %get3A_189 = arith.index_cast %mul3A_188 : i32 to index
        %get3A_190 = tpu.vector_load %arg8[%get3A_189] {strides = array<i32>} : memref<6688xi32, #tpu.memory_space<vmem>>, vector<16xi32>,
        %sub3A_191 = vector.broadcast %add3A_35 : i32 to vector<16xi32>
        %sub3A_192 = arith.subi %get3A_190, %sub3A_191 : vector<16xi32>
        %ge3A_193 = arith.constant 0 : i32
        %ge3A_194 = vector.broadcast %ge3A_193 : i32 to vector<16xi32>
        %ge3A_195 = arith.cmpi sge, %sub3A_192, %ge3A_194 : vector<16xi32>
        %lt3A_196 = arith.constant 53504 : i32
        %lt3A_197 = vector.broadcast %lt3A_196 : i32 to vector<16xi32>
        %lt3A_198 = arith.cmpi slt, %sub3A_192, %lt3A_197 : vector<16xi32>
        %and3A_199 = arith.andi %ge3A_195, %lt3A_198 : vector<16xi1>
        %unique3A_200, %unique3A_201 = tpu.scan_count mask(%and3A_199 : vector<16xi1>) value(%sub3A_192 : vector<16xi32>) : vector<16xi1>, vector<16xi32>
        %and3A_202 = arith.andi %and3A_199, %unique3A_200 : vector<16xi1>
        %mul3A_203 = arith.constant 16 : i32
        %mul3A_204 = arith.muli %scan3A_186, %mul3A_203 : i32
        %get3A_205 = arith.index_cast %mul3A_204 : i32 to index
        %get3A_206 = tpu.vector_load %arg9[%get3A_205] {strides = array<i32>} : memref<6688xf32, #tpu.memory_space<vmem>>, vector<16xf32>,
        %jit3A_207 = arith.constant 0 : i32
        %broadcast_in_dim3A_208 = vector.broadcast %jit3A_207 : i32 to vector<16xi32>
        %select_n3A_209 = arith.select %and3A_202, %sub3A_192, %broadcast_in_dim3A_208 : vector<16xi1>, vector<16xi32>
        tpu.vector_store_idx %arg7[%select_n3A_209], %get3A_206 masked %and3A_202 : memref<53504xf32, #tpu.memory_space<vmem>>[vector<16xi32>], vector<16xf32>, vector<16xi1>
        %scan3A_210 = arith.constant 4 : i32
        %scan3A_211 = arith.addi %scan3A_115, %scan3A_210 : i32
        %mul3A_212 = arith.constant 16 : i32
        %mul3A_213 = arith.muli %scan3A_211, %mul3A_212 : i32
        %get3A_214 = arith.index_cast %mul3A_213 : i32 to index
        %get3A_215 = tpu.vector_load %arg8[%get3A_214] {strides = array<i32>} : memref<6688xi32, #tpu.memory_space<vmem>>, vector<16xi32>,
        %sub3A_216 = vector.broadcast %add3A_35 : i32 to vector<16xi32>
        %sub3A_217 = arith.subi %get3A_215, %sub3A_216 : vector<16xi32>
        %ge3A_218 = arith.constant 0 : i32
        %ge3A_219 = vector.broadcast %ge3A_218 : i32 to vector<16xi32>
        %ge3A_220 = arith.cmpi sge, %sub3A_217, %ge3A_219 : vector<16xi32>
        %lt3A_221 = arith.constant 53504 : i32
        %lt3A_222 = vector.broadcast %lt3A_221 : i32 to vector<16xi32>
        %lt3A_223 = arith.cmpi slt, %sub3A_217, %lt3A_222 : vector<16xi32>
        %and3A_224 = arith.andi %ge3A_220, %lt3A_223 : vector<16xi1>
        %unique3A_225, %unique3A_226 = tpu.scan_count mask(%and3A_224 : vector<16xi1>) value(%sub3A_217 : vector<16xi32>) : vector<16xi1>, vector<16xi32>
        %and3A_227 = arith.andi %and3A_224, %unique3A_225 : vector<16xi1>
        %mul3A_228 = arith.constant 16 : i32
        %mul3A_229 = arith.muli %scan3A_211, %mul3A_228 : i32
        %get3A_230 = arith.index_cast %mul3A_229 : i32 to index
        %get3A_231 = tpu.vector_load %arg9[%get3A_230] {strides = array<i32>} : memref<6688xf32, #tpu.memory_space<vmem>>, vector<16xf32>,
        %jit3A_232 = arith.constant 0 : i32
        %broadcast_in_dim3A_233 = vector.broadcast %jit3A_232 : i32 to vector<16xi32>
        %select_n3A_234 = arith.select %and3A_227, %sub3A_217, %broadcast_in_dim3A_233 : vector<16xi1>, vector<16xi32>
        tpu.vector_store_idx %arg7[%select_n3A_234], %get3A_231 masked %and3A_227 : memref<53504xf32, #tpu.memory_space<vmem>>[vector<16xi32>], vector<16xf32>, vector<16xi1>
        %scan3A_235 = arith.constant 5 : i32
        %scan3A_236 = arith.addi %scan3A_115, %scan3A_235 : i32
        %mul3A_237 = arith.constant 16 : i32
        %mul3A_238 = arith.muli %scan3A_236, %mul3A_237 : i32
        %get3A_239 = arith.index_cast %mul3A_238 : i32 to index
        %get3A_240 = tpu.vector_load %arg8[%get3A_239] {strides = array<i32>} : memref<6688xi32, #tpu.memory_space<vmem>>, vector<16xi32>,
        %sub3A_241 = vector.broadcast %add3A_35 : i32 to vector<16xi32>
        %sub3A_242 = arith.subi %get3A_240, %sub3A_241 : vector<16xi32>
        %ge3A_243 = arith.constant 0 : i32
        %ge3A_244 = vector.broadcast %ge3A_243 : i32 to vector<16xi32>
        %ge3A_245 = arith.cmpi sge, %sub3A_242, %ge3A_244 : vector<16xi32>
        %lt3A_246 = arith.constant 53504 : i32
        %lt3A_247 = vector.broadcast %lt3A_246 : i32 to vector<16xi32>
        %lt3A_248 = arith.cmpi slt, %sub3A_242, %lt3A_247 : vector<16xi32>
        %and3A_249 = arith.andi %ge3A_245, %lt3A_248 : vector<16xi1>
        %unique3A_250, %unique3A_251 = tpu.scan_count mask(%and3A_249 : vector<16xi1>) value(%sub3A_242 : vector<16xi32>) : vector<16xi1>, vector<16xi32>
        %and3A_252 = arith.andi %and3A_249, %unique3A_250 : vector<16xi1>
        %mul3A_253 = arith.constant 16 : i32
        %mul3A_254 = arith.muli %scan3A_236, %mul3A_253 : i32
        %get3A_255 = arith.index_cast %mul3A_254 : i32 to index
        %get3A_256 = tpu.vector_load %arg9[%get3A_255] {strides = array<i32>} : memref<6688xf32, #tpu.memory_space<vmem>>, vector<16xf32>,
        %jit3A_257 = arith.constant 0 : i32
        %broadcast_in_dim3A_258 = vector.broadcast %jit3A_257 : i32 to vector<16xi32>
        %select_n3A_259 = arith.select %and3A_252, %sub3A_242, %broadcast_in_dim3A_258 : vector<16xi1>, vector<16xi32>
        tpu.vector_store_idx %arg7[%select_n3A_259], %get3A_256 masked %and3A_252 : memref<53504xf32, #tpu.memory_space<vmem>>[vector<16xi32>], vector<16xf32>, vector<16xi1>
        %scan3A_260 = arith.constant 6 : i32
        %scan3A_261 = arith.addi %scan3A_115, %scan3A_260 : i32
        %mul3A_262 = arith.constant 16 : i32
        %mul3A_263 = arith.muli %scan3A_261, %mul3A_262 : i32
        %get3A_264 = arith.index_cast %mul3A_263 : i32 to index
        %get3A_265 = tpu.vector_load %arg8[%get3A_264] {strides = array<i32>} : memref<6688xi32, #tpu.memory_space<vmem>>, vector<16xi32>,
        %sub3A_266 = vector.broadcast %add3A_35 : i32 to vector<16xi32>
        %sub3A_267 = arith.subi %get3A_265, %sub3A_266 : vector<16xi32>
        %ge3A_268 = arith.constant 0 : i32
        %ge3A_269 = vector.broadcast %ge3A_268 : i32 to vector<16xi32>
        %ge3A_270 = arith.cmpi sge, %sub3A_267, %ge3A_269 : vector<16xi32>
        %lt3A_271 = arith.constant 53504 : i32
        %lt3A_272 = vector.broadcast %lt3A_271 : i32 to vector<16xi32>
        %lt3A_273 = arith.cmpi slt, %sub3A_267, %lt3A_272 : vector<16xi32>
        %and3A_274 = arith.andi %ge3A_270, %lt3A_273 : vector<16xi1>
        %unique3A_275, %unique3A_276 = tpu.scan_count mask(%and3A_274 : vector<16xi1>) value(%sub3A_267 : vector<16xi32>) : vector<16xi1>, vector<16xi32>
        %and3A_277 = arith.andi %and3A_274, %unique3A_275 : vector<16xi1>
        %mul3A_278 = arith.constant 16 : i32
        %mul3A_279 = arith.muli %scan3A_261, %mul3A_278 : i32
        %get3A_280 = arith.index_cast %mul3A_279 : i32 to index
        %get3A_281 = tpu.vector_load %arg9[%get3A_280] {strides = array<i32>} : memref<6688xf32, #tpu.memory_space<vmem>>, vector<16xf32>,
        %jit3A_282 = arith.constant 0 : i32
        %broadcast_in_dim3A_283 = vector.broadcast %jit3A_282 : i32 to vector<16xi32>
        %select_n3A_284 = arith.select %and3A_277, %sub3A_267, %broadcast_in_dim3A_283 : vector<16xi1>, vector<16xi32>
        tpu.vector_store_idx %arg7[%select_n3A_284], %get3A_281 masked %and3A_277 : memref<53504xf32, #tpu.memory_space<vmem>>[vector<16xi32>], vector<16xf32>, vector<16xi1>
        %scan3A_285 = arith.constant 7 : i32
        %scan3A_286 = arith.addi %scan3A_115, %scan3A_285 : i32
        %mul3A_287 = arith.constant 16 : i32
        %mul3A_288 = arith.muli %scan3A_286, %mul3A_287 : i32
        %get3A_289 = arith.index_cast %mul3A_288 : i32 to index
        %get3A_290 = tpu.vector_load %arg8[%get3A_289] {strides = array<i32>} : memref<6688xi32, #tpu.memory_space<vmem>>, vector<16xi32>,
        %sub3A_291 = vector.broadcast %add3A_35 : i32 to vector<16xi32>
        %sub3A_292 = arith.subi %get3A_290, %sub3A_291 : vector<16xi32>
        %ge3A_293 = arith.constant 0 : i32
        %ge3A_294 = vector.broadcast %ge3A_293 : i32 to vector<16xi32>
        %ge3A_295 = arith.cmpi sge, %sub3A_292, %ge3A_294 : vector<16xi32>
        %lt3A_296 = arith.constant 53504 : i32
        %lt3A_297 = vector.broadcast %lt3A_296 : i32 to vector<16xi32>
        %lt3A_298 = arith.cmpi slt, %sub3A_292, %lt3A_297 : vector<16xi32>
        %and3A_299 = arith.andi %ge3A_295, %lt3A_298 : vector<16xi1>
        %unique3A_300, %unique3A_301 = tpu.scan_count mask(%and3A_299 : vector<16xi1>) value(%sub3A_292 : vector<16xi32>) : vector<16xi1>, vector<16xi32>
        %and3A_302 = arith.andi %and3A_299, %unique3A_300 : vector<16xi1>
        %mul3A_303 = arith.constant 16 : i32
        %mul3A_304 = arith.muli %scan3A_286, %mul3A_303 : i32
        %get3A_305 = arith.index_cast %mul3A_304 : i32 to index
        %get3A_306 = tpu.vector_load %arg9[%get3A_305] {strides = array<i32>} : memref<6688xf32, #tpu.memory_space<vmem>>, vector<16xf32>,
        %jit3A_307 = arith.constant 0 : i32
        %broadcast_in_dim3A_308 = vector.broadcast %jit3A_307 : i32 to vector<16xi32>
        %select_n3A_309 = arith.select %and3A_302, %sub3A_292, %broadcast_in_dim3A_308 : vector<16xi1>, vector<16xi32>
        tpu.vector_store_idx %arg7[%select_n3A_309], %get3A_306 masked %and3A_302 : memref<53504xf32, #tpu.memory_space<vmem>>[vector<16xi32>], vector<16xf32>, vector<16xi1>
        %scan3A_310 = arith.constant 8 : i32
        %scan3A_311 = arith.addi %scan3A_115, %scan3A_310 : i32
        %mul3A_312 = arith.constant 16 : i32
        %mul3A_313 = arith.muli %scan3A_311, %mul3A_312 : i32
        %get3A_314 = arith.index_cast %mul3A_313 : i32 to index
        %get3A_315 = tpu.vector_load %arg8[%get3A_314] {strides = array<i32>} : memref<6688xi32, #tpu.memory_space<vmem>>, vector<16xi32>,
        %sub3A_316 = vector.broadcast %add3A_35 : i32 to vector<16xi32>
        %sub3A_317 = arith.subi %get3A_315, %sub3A_316 : vector<16xi32>
        %ge3A_318 = arith.constant 0 : i32
        %ge3A_319 = vector.broadcast %ge3A_318 : i32 to vector<16xi32>
        %ge3A_320 = arith.cmpi sge, %sub3A_317, %ge3A_319 : vector<16xi32>
        %lt3A_321 = arith.constant 53504 : i32
        %lt3A_322 = vector.broadcast %lt3A_321 : i32 to vector<16xi32>
        %lt3A_323 = arith.cmpi slt, %sub3A_317, %lt3A_322 : vector<16xi32>
        %and3A_324 = arith.andi %ge3A_320, %lt3A_323 : vector<16xi1>
        %unique3A_325, %unique3A_326 = tpu.scan_count mask(%and3A_324 : vector<16xi1>) value(%sub3A_317 : vector<16xi32>) : vector<16xi1>, vector<16xi32>
        %and3A_327 = arith.andi %and3A_324, %unique3A_325 : vector<16xi1>
        %mul3A_328 = arith.constant 16 : i32
        %mul3A_329 = arith.muli %scan3A_311, %mul3A_328 : i32
        %get3A_330 = arith.index_cast %mul3A_329 : i32 to index
        %get3A_331 = tpu.vector_load %arg9[%get3A_330] {strides = array<i32>} : memref<6688xf32, #tpu.memory_space<vmem>>, vector<16xf32>,
        %jit3A_332 = arith.constant 0 : i32
        %broadcast_in_dim3A_333 = vector.broadcast %jit3A_332 : i32 to vector<16xi32>
        %select_n3A_334 = arith.select %and3A_327, %sub3A_317, %broadcast_in_dim3A_333 : vector<16xi1>, vector<16xi32>
        tpu.vector_store_idx %arg7[%select_n3A_334], %get3A_331 masked %and3A_327 : memref<53504xf32, #tpu.memory_space<vmem>>[vector<16xi32>], vector<16xf32>, vector<16xi1>
        %scan3A_335 = arith.constant 9 : i32
        %scan3A_336 = arith.addi %scan3A_115, %scan3A_335 : i32
        %mul3A_337 = arith.constant 16 : i32
        %mul3A_338 = arith.muli %scan3A_336, %mul3A_337 : i32
        %get3A_339 = arith.index_cast %mul3A_338 : i32 to index
        %get3A_340 = tpu.vector_load %arg8[%get3A_339] {strides = array<i32>} : memref<6688xi32, #tpu.memory_space<vmem>>, vector<16xi32>,
        %sub3A_341 = vector.broadcast %add3A_35 : i32 to vector<16xi32>
        %sub3A_342 = arith.subi %get3A_340, %sub3A_341 : vector<16xi32>
        %ge3A_343 = arith.constant 0 : i32
        %ge3A_344 = vector.broadcast %ge3A_343 : i32 to vector<16xi32>
        %ge3A_345 = arith.cmpi sge, %sub3A_342, %ge3A_344 : vector<16xi32>
        %lt3A_346 = arith.constant 53504 : i32
        %lt3A_347 = vector.broadcast %lt3A_346 : i32 to vector<16xi32>
        %lt3A_348 = arith.cmpi slt, %sub3A_342, %lt3A_347 : vector<16xi32>
        %and3A_349 = arith.andi %ge3A_345, %lt3A_348 : vector<16xi1>
        %unique3A_350, %unique3A_351 = tpu.scan_count mask(%and3A_349 : vector<16xi1>) value(%sub3A_342 : vector<16xi32>) : vector<16xi1>, vector<16xi32>
        %and3A_352 = arith.andi %and3A_349, %unique3A_350 : vector<16xi1>
        %mul3A_353 = arith.constant 16 : i32
        %mul3A_354 = arith.muli %scan3A_336, %mul3A_353 : i32
        %get3A_355 = arith.index_cast %mul3A_354 : i32 to index
        %get3A_356 = tpu.vector_load %arg9[%get3A_355] {strides = array<i32>} : memref<6688xf32, #tpu.memory_space<vmem>>, vector<16xf32>,
        %jit3A_357 = arith.constant 0 : i32
        %broadcast_in_dim3A_358 = vector.broadcast %jit3A_357 : i32 to vector<16xi32>
        %select_n3A_359 = arith.select %and3A_352, %sub3A_342, %broadcast_in_dim3A_358 : vector<16xi1>, vector<16xi32>
        tpu.vector_store_idx %arg7[%select_n3A_359], %get3A_356 masked %and3A_352 : memref<53504xf32, #tpu.memory_space<vmem>>[vector<16xi32>], vector<16xf32>, vector<16xi1>
        %scan3A_360 = arith.constant 10 : i32
        %scan3A_361 = arith.addi %scan3A_115, %scan3A_360 : i32
        %mul3A_362 = arith.constant 16 : i32
        %mul3A_363 = arith.muli %scan3A_361, %mul3A_362 : i32
        %get3A_364 = arith.index_cast %mul3A_363 : i32 to index
        %get3A_365 = tpu.vector_load %arg8[%get3A_364] {strides = array<i32>} : memref<6688xi32, #tpu.memory_space<vmem>>, vector<16xi32>,
        %sub3A_366 = vector.broadcast %add3A_35 : i32 to vector<16xi32>
        %sub3A_367 = arith.subi %get3A_365, %sub3A_366 : vector<16xi32>
        %ge3A_368 = arith.constant 0 : i32
        %ge3A_369 = vector.broadcast %ge3A_368 : i32 to vector<16xi32>
        %ge3A_370 = arith.cmpi sge, %sub3A_367, %ge3A_369 : vector<16xi32>
        %lt3A_371 = arith.constant 53504 : i32
        %lt3A_372 = vector.broadcast %lt3A_371 : i32 to vector<16xi32>
        %lt3A_373 = arith.cmpi slt, %sub3A_367, %lt3A_372 : vector<16xi32>
        %and3A_374 = arith.andi %ge3A_370, %lt3A_373 : vector<16xi1>
        %unique3A_375, %unique3A_376 = tpu.scan_count mask(%and3A_374 : vector<16xi1>) value(%sub3A_367 : vector<16xi32>) : vector<16xi1>, vector<16xi32>
        %and3A_377 = arith.andi %and3A_374, %unique3A_375 : vector<16xi1>
        %mul3A_378 = arith.constant 16 : i32
        %mul3A_379 = arith.muli %scan3A_361, %mul3A_378 : i32
        %get3A_380 = arith.index_cast %mul3A_379 : i32 to index
        %get3A_381 = tpu.vector_load %arg9[%get3A_380] {strides = array<i32>} : memref<6688xf32, #tpu.memory_space<vmem>>, vector<16xf32>,
        %jit3A_382 = arith.constant 0 : i32
        %broadcast_in_dim3A_383 = vector.broadcast %jit3A_382 : i32 to vector<16xi32>
        %select_n3A_384 = arith.select %and3A_377, %sub3A_367, %broadcast_in_dim3A_383 : vector<16xi1>, vector<16xi32>
        tpu.vector_store_idx %arg7[%select_n3A_384], %get3A_381 masked %and3A_377 : memref<53504xf32, #tpu.memory_space<vmem>>[vector<16xi32>], vector<16xf32>, vector<16xi1>
      }
      %scan3A_114 = arith.constant 418 : i32
    }
    %scan3A_44 = arith.constant 64 : i32
    %mul3A_45 = arith.constant 1284096 : i32
    %mul3A_46 = arith.muli %select_n3A, %mul3A_45 : i32
    %add3A_47 = arith.constant 0 : i32
    %add3A_48 = arith.addi %mul3A_46, %add3A_47 : i32
    %mul3A_49 = arith.constant 53504 : i32
    %mul3A_50 = arith.muli %select_n3A_30, %mul3A_49 : i32
    %add3A_51 = arith.addi %add3A_48, %mul3A_50 : i32
    %dma_start3A = tpu.memref_slice %arg6[%add3A_51] : memref<5136384xf32, #tpu.memory_space<hbm>> -> memref<53504xf32, #tpu.memory_space<hbm>>
    %dma_start3A_52 = tpu.memref_slice %arg6[%add3A_51] : memref<5136384xf32, #tpu.memory_space<hbm>> -> memref<53504xf32, #tpu.memory_space<hbm>>
    tpu.enqueue_dma source(%arg7 : memref<53504xf32, #tpu.memory_space<vmem>>) target(%dma_start3A_52 : memref<53504xf32, #tpu.memory_space<hbm>>) target_semaphore(%arg10 : memref<!tpu.dma_semaphore, #tpu.memory_space<semaphore_mem>>)
    %dma_wait3A = tpu.memref_slice %arg6[%add3A_51] : memref<5136384xf32, #tpu.memory_space<hbm>> -> memref<53504xf32, #tpu.memory_space<hbm>>
    %dma_wait3A_53 = tpu.memref_slice %arg6[%add3A_51] : memref<5136384xf32, #tpu.memory_space<hbm>> -> memref<53504xf32, #tpu.memory_space<hbm>>
    tpu.wait_dma2 semaphore(%arg10 : memref<!tpu.dma_semaphore, #tpu.memory_space<semaphore_mem>>) src(%arg7 : memref<53504xf32, #tpu.memory_space<vmem>>) dst(%dma_wait3A_53 : memref<53504xf32, #tpu.memory_space<hbm>>)
    %scan3A_54 = arith.constant 0 : i32
    %scan3A_55 = arith.constant 3344 : i32
    %scan3A_56 = arith.addi %scan3A_54, %scan3A_55 : i32
    %scan3A_57 = arith.constant 1 : i32
    scf.for %scan3A_96 = %scan3A_54 to %scan3A_56 step %scan3A_57  : i32 {
      %broadcast_in_dim3A = arith.constant 0.000000e+00 : f32
      %broadcast_in_dim3A_97 = vector.broadcast %broadcast_in_dim3A : f32 to vector<16xf32>
      %mul3A_98 = arith.constant 16 : i32
      %mul3A_99 = arith.muli %scan3A_96, %mul3A_98 : i32
      %swap3A = arith.index_cast %mul3A_99 : i32 to index
      %swap3A_100 = tpu.vector_load %arg7[%swap3A] {strides = array<i32>} : memref<53504xf32, #tpu.memory_space<vmem>>, vector<16xf32>,
      tpu.vector_store %arg7[%swap3A], %broadcast_in_dim3A_97 {strides = array<i32>} : memref<53504xf32, #tpu.memory_space<vmem>>, vector<16xf32>,
    }
    %scan3A_58 = arith.constant 3344 : i32
    %scan3A_59 = arith.constant 0 : i32
    %scan3A_60 = arith.constant 64 : i32
    %scan3A_61 = arith.addi %scan3A_59, %scan3A_60 : i32
    %scan3A_62 = arith.constant 1 : i32
    scf.for %scan3A_96 = %scan3A_59 to %scan3A_61 step %scan3A_62  : i32 {
      %mul3A_97 = arith.constant 428032 : i32
      %mul3A_98 = arith.muli %select_n3A, %mul3A_97 : i32
      %mul3A_99 = arith.constant 6688 : i32
      %mul3A_100 = arith.muli %scan3A_96, %mul3A_99 : i32
      %add3A_101 = arith.addi %mul3A_98, %mul3A_100 : i32
      %dma_start3A_102 = tpu.memref_slice %arg2[%add3A_101] : memref<1712128xi32, #tpu.memory_space<hbm>> -> memref<6688xi32, #tpu.memory_space<hbm>>
      %dma_start3A_103 = tpu.memref_slice %arg2[%add3A_101] : memref<1712128xi32, #tpu.memory_space<hbm>> -> memref<6688xi32, #tpu.memory_space<hbm>>
      tpu.enqueue_dma source(%dma_start3A_103 : memref<6688xi32, #tpu.memory_space<hbm>>) target(%arg8 : memref<6688xi32, #tpu.memory_space<vmem>>) target_semaphore(%arg10 : memref<!tpu.dma_semaphore, #tpu.memory_space<semaphore_mem>>)
      %dma_start3A_104 = tpu.memref_slice %arg4[%add3A_101] : memref<1712128xf32, #tpu.memory_space<hbm>> -> memref<6688xf32, #tpu.memory_space<hbm>>
      %dma_start3A_105 = tpu.memref_slice %arg4[%add3A_101] : memref<1712128xf32, #tpu.memory_space<hbm>> -> memref<6688xf32, #tpu.memory_space<hbm>>
      tpu.enqueue_dma source(%dma_start3A_105 : memref<6688xf32, #tpu.memory_space<hbm>>) target(%arg9 : memref<6688xf32, #tpu.memory_space<vmem>>) target_semaphore(%arg11 : memref<!tpu.dma_semaphore, #tpu.memory_space<semaphore_mem>>)
      %dma_wait3A_106 = tpu.memref_slice %arg2[%add3A_101] : memref<1712128xi32, #tpu.memory_space<hbm>> -> memref<6688xi32, #tpu.memory_space<hbm>>
      %dma_wait3A_107 = tpu.memref_slice %arg2[%add3A_101] : memref<1712128xi32, #tpu.memory_space<hbm>> -> memref<6688xi32, #tpu.memory_space<hbm>>
      tpu.wait_dma2 semaphore(%arg10 : memref<!tpu.dma_semaphore, #tpu.memory_space<semaphore_mem>>) src(%dma_wait3A_107 : memref<6688xi32, #tpu.memory_space<hbm>>) dst(%arg8 : memref<6688xi32, #tpu.memory_space<vmem>>)
      %dma_wait3A_108 = tpu.memref_slice %arg4[%add3A_101] : memref<1712128xf32, #tpu.memory_space<hbm>> -> memref<6688xf32, #tpu.memory_space<hbm>>
      %dma_wait3A_109 = tpu.memref_slice %arg4[%add3A_101] : memref<1712128xf32, #tpu.memory_space<hbm>> -> memref<6688xf32, #tpu.memory_space<hbm>>
      tpu.wait_dma2 semaphore(%arg11 : memref<!tpu.dma_semaphore, #tpu.memory_space<semaphore_mem>>) src(%dma_wait3A_109 : memref<6688xf32, #tpu.memory_space<hbm>>) dst(%arg9 : memref<6688xf32, #tpu.memory_space<vmem>>)
      %scan3A_110 = arith.constant 0 : i32
      %scan3A_111 = arith.constant 418 : i32
      %scan3A_112 = arith.addi %scan3A_110, %scan3A_111 : i32
      %scan3A_113 = arith.constant 11 : i32
      scf.for %scan3A_115 = %scan3A_110 to %scan3A_112 step %scan3A_113  : i32 {
        %mul3A_116 = arith.constant 16 : i32
        %mul3A_117 = arith.muli %scan3A_115, %mul3A_116 : i32
        %get3A = arith.index_cast %mul3A_117 : i32 to index
        %get3A_118 = tpu.vector_load %arg8[%get3A] {strides = array<i32>} : memref<6688xi32, #tpu.memory_space<vmem>>, vector<16xi32>,
        %sub3A_119 = vector.broadcast %add3A_35 : i32 to vector<16xi32>
        %sub3A_120 = arith.subi %get3A_118, %sub3A_119 : vector<16xi32>
        %ge3A = arith.constant 0 : i32
        %ge3A_121 = vector.broadcast %ge3A : i32 to vector<16xi32>
        %ge3A_122 = arith.cmpi sge, %sub3A_120, %ge3A_121 : vector<16xi32>
        %lt3A_123 = arith.constant 53504 : i32
        %lt3A_124 = vector.broadcast %lt3A_123 : i32 to vector<16xi32>
        %lt3A_125 = arith.cmpi slt, %sub3A_120, %lt3A_124 : vector<16xi32>
        %and3A_126 = arith.andi %ge3A_122, %lt3A_125 : vector<16xi1>
        %unique3A, %unique3A_127 = tpu.scan_count mask(%and3A_126 : vector<16xi1>) value(%sub3A_120 : vector<16xi32>) : vector<16xi1>, vector<16xi32>
        %and3A_128 = arith.andi %and3A_126, %unique3A : vector<16xi1>
        %mul3A_129 = arith.constant 16 : i32
        %mul3A_130 = arith.muli %scan3A_115, %mul3A_129 : i32
        %get3A_131 = arith.index_cast %mul3A_130 : i32 to index
        %get3A_132 = tpu.vector_load %arg9[%get3A_131] {strides = array<i32>} : memref<6688xf32, #tpu.memory_space<vmem>>, vector<16xf32>,
        %jit3A_133 = arith.constant 0 : i32
        %broadcast_in_dim3A = vector.broadcast %jit3A_133 : i32 to vector<16xi32>
        %select_n3A_134 = arith.select %and3A_128, %sub3A_120, %broadcast_in_dim3A : vector<16xi1>, vector<16xi32>
        tpu.vector_store_idx %arg7[%select_n3A_134], %get3A_132 masked %and3A_128 : memref<53504xf32, #tpu.memory_space<vmem>>[vector<16xi32>], vector<16xf32>, vector<16xi1>
        %scan3A_135 = arith.constant 1 : i32
        %scan3A_136 = arith.addi %scan3A_115, %scan3A_135 : i32
        %mul3A_137 = arith.constant 16 : i32
        %mul3A_138 = arith.muli %scan3A_136, %mul3A_137 : i32
        %get3A_139 = arith.index_cast %mul3A_138 : i32 to index
        %get3A_140 = tpu.vector_load %arg8[%get3A_139] {strides = array<i32>} : memref<6688xi32, #tpu.memory_space<vmem>>, vector<16xi32>,
        %sub3A_141 = vector.broadcast %add3A_35 : i32 to vector<16xi32>
        %sub3A_142 = arith.subi %get3A_140, %sub3A_141 : vector<16xi32>
        %ge3A_143 = arith.constant 0 : i32
        %ge3A_144 = vector.broadcast %ge3A_143 : i32 to vector<16xi32>
        %ge3A_145 = arith.cmpi sge, %sub3A_142, %ge3A_144 : vector<16xi32>
        %lt3A_146 = arith.constant 53504 : i32
        %lt3A_147 = vector.broadcast %lt3A_146 : i32 to vector<16xi32>
        %lt3A_148 = arith.cmpi slt, %sub3A_142, %lt3A_147 : vector<16xi32>
        %and3A_149 = arith.andi %ge3A_145, %lt3A_148 : vector<16xi1>
        %unique3A_150, %unique3A_151 = tpu.scan_count mask(%and3A_149 : vector<16xi1>) value(%sub3A_142 : vector<16xi32>) : vector<16xi1>, vector<16xi32>
        %and3A_152 = arith.andi %and3A_149, %unique3A_150 : vector<16xi1>
        %mul3A_153 = arith.constant 16 : i32
        %mul3A_154 = arith.muli %scan3A_136, %mul3A_153 : i32
        %get3A_155 = arith.index_cast %mul3A_154 : i32 to index
        %get3A_156 = tpu.vector_load %arg9[%get3A_155] {strides = array<i32>} : memref<6688xf32, #tpu.memory_space<vmem>>, vector<16xf32>,
        %jit3A_157 = arith.constant 0 : i32
        %broadcast_in_dim3A_158 = vector.broadcast %jit3A_157 : i32 to vector<16xi32>
        %select_n3A_159 = arith.select %and3A_152, %sub3A_142, %broadcast_in_dim3A_158 : vector<16xi1>, vector<16xi32>
        tpu.vector_store_idx %arg7[%select_n3A_159], %get3A_156 masked %and3A_152 : memref<53504xf32, #tpu.memory_space<vmem>>[vector<16xi32>], vector<16xf32>, vector<16xi1>
        %scan3A_160 = arith.constant 2 : i32
        %scan3A_161 = arith.addi %scan3A_115, %scan3A_160 : i32
        %mul3A_162 = arith.constant 16 : i32
        %mul3A_163 = arith.muli %scan3A_161, %mul3A_162 : i32
        %get3A_164 = arith.index_cast %mul3A_163 : i32 to index
        %get3A_165 = tpu.vector_load %arg8[%get3A_164] {strides = array<i32>} : memref<6688xi32, #tpu.memory_space<vmem>>, vector<16xi32>,
        %sub3A_166 = vector.broadcast %add3A_35 : i32 to vector<16xi32>
        %sub3A_167 = arith.subi %get3A_165, %sub3A_166 : vector<16xi32>
        %ge3A_168 = arith.constant 0 : i32
        %ge3A_169 = vector.broadcast %ge3A_168 : i32 to vector<16xi32>
        %ge3A_170 = arith.cmpi sge, %sub3A_167, %ge3A_169 : vector<16xi32>
        %lt3A_171 = arith.constant 53504 : i32
        %lt3A_172 = vector.broadcast %lt3A_171 : i32 to vector<16xi32>
        %lt3A_173 = arith.cmpi slt, %sub3A_167, %lt3A_172 : vector<16xi32>
        %and3A_174 = arith.andi %ge3A_170, %lt3A_173 : vector<16xi1>
        %unique3A_175, %unique3A_176 = tpu.scan_count mask(%and3A_174 : vector<16xi1>) value(%sub3A_167 : vector<16xi32>) : vector<16xi1>, vector<16xi32>
        %and3A_177 = arith.andi %and3A_174, %unique3A_175 : vector<16xi1>
        %mul3A_178 = arith.constant 16 : i32
        %mul3A_179 = arith.muli %scan3A_161, %mul3A_178 : i32
        %get3A_180 = arith.index_cast %mul3A_179 : i32 to index
        %get3A_181 = tpu.vector_load %arg9[%get3A_180] {strides = array<i32>} : memref<6688xf32, #tpu.memory_space<vmem>>, vector<16xf32>,
        %jit3A_182 = arith.constant 0 : i32
        %broadcast_in_dim3A_183 = vector.broadcast %jit3A_182 : i32 to vector<16xi32>
        %select_n3A_184 = arith.select %and3A_177, %sub3A_167, %broadcast_in_dim3A_183 : vector<16xi1>, vector<16xi32>
        tpu.vector_store_idx %arg7[%select_n3A_184], %get3A_181 masked %and3A_177 : memref<53504xf32, #tpu.memory_space<vmem>>[vector<16xi32>], vector<16xf32>, vector<16xi1>
        %scan3A_185 = arith.constant 3 : i32
        %scan3A_186 = arith.addi %scan3A_115, %scan3A_185 : i32
        %mul3A_187 = arith.constant 16 : i32
        %mul3A_188 = arith.muli %scan3A_186, %mul3A_187 : i32
        %get3A_189 = arith.index_cast %mul3A_188 : i32 to index
        %get3A_190 = tpu.vector_load %arg8[%get3A_189] {strides = array<i32>} : memref<6688xi32, #tpu.memory_space<vmem>>, vector<16xi32>,
        %sub3A_191 = vector.broadcast %add3A_35 : i32 to vector<16xi32>
        %sub3A_192 = arith.subi %get3A_190, %sub3A_191 : vector<16xi32>
        %ge3A_193 = arith.constant 0 : i32
        %ge3A_194 = vector.broadcast %ge3A_193 : i32 to vector<16xi32>
        %ge3A_195 = arith.cmpi sge, %sub3A_192, %ge3A_194 : vector<16xi32>
        %lt3A_196 = arith.constant 53504 : i32
        %lt3A_197 = vector.broadcast %lt3A_196 : i32 to vector<16xi32>
        %lt3A_198 = arith.cmpi slt, %sub3A_192, %lt3A_197 : vector<16xi32>
        %and3A_199 = arith.andi %ge3A_195, %lt3A_198 : vector<16xi1>
        %unique3A_200, %unique3A_201 = tpu.scan_count mask(%and3A_199 : vector<16xi1>) value(%sub3A_192 : vector<16xi32>) : vector<16xi1>, vector<16xi32>
        %and3A_202 = arith.andi %and3A_199, %unique3A_200 : vector<16xi1>
        %mul3A_203 = arith.constant 16 : i32
        %mul3A_204 = arith.muli %scan3A_186, %mul3A_203 : i32
        %get3A_205 = arith.index_cast %mul3A_204 : i32 to index
        %get3A_206 = tpu.vector_load %arg9[%get3A_205] {strides = array<i32>} : memref<6688xf32, #tpu.memory_space<vmem>>, vector<16xf32>,
        %jit3A_207 = arith.constant 0 : i32
        %broadcast_in_dim3A_208 = vector.broadcast %jit3A_207 : i32 to vector<16xi32>
        %select_n3A_209 = arith.select %and3A_202, %sub3A_192, %broadcast_in_dim3A_208 : vector<16xi1>, vector<16xi32>
        tpu.vector_store_idx %arg7[%select_n3A_209], %get3A_206 masked %and3A_202 : memref<53504xf32, #tpu.memory_space<vmem>>[vector<16xi32>], vector<16xf32>, vector<16xi1>
        %scan3A_210 = arith.constant 4 : i32
        %scan3A_211 = arith.addi %scan3A_115, %scan3A_210 : i32
        %mul3A_212 = arith.constant 16 : i32
        %mul3A_213 = arith.muli %scan3A_211, %mul3A_212 : i32
        %get3A_214 = arith.index_cast %mul3A_213 : i32 to index
        %get3A_215 = tpu.vector_load %arg8[%get3A_214] {strides = array<i32>} : memref<6688xi32, #tpu.memory_space<vmem>>, vector<16xi32>,
        %sub3A_216 = vector.broadcast %add3A_35 : i32 to vector<16xi32>
        %sub3A_217 = arith.subi %get3A_215, %sub3A_216 : vector<16xi32>
        %ge3A_218 = arith.constant 0 : i32
        %ge3A_219 = vector.broadcast %ge3A_218 : i32 to vector<16xi32>
        %ge3A_220 = arith.cmpi sge, %sub3A_217, %ge3A_219 : vector<16xi32>
        %lt3A_221 = arith.constant 53504 : i32
        %lt3A_222 = vector.broadcast %lt3A_221 : i32 to vector<16xi32>
        %lt3A_223 = arith.cmpi slt, %sub3A_217, %lt3A_222 : vector<16xi32>
        %and3A_224 = arith.andi %ge3A_220, %lt3A_223 : vector<16xi1>
        %unique3A_225, %unique3A_226 = tpu.scan_count mask(%and3A_224 : vector<16xi1>) value(%sub3A_217 : vector<16xi32>) : vector<16xi1>, vector<16xi32>
        %and3A_227 = arith.andi %and3A_224, %unique3A_225 : vector<16xi1>
        %mul3A_228 = arith.constant 16 : i32
        %mul3A_229 = arith.muli %scan3A_211, %mul3A_228 : i32
        %get3A_230 = arith.index_cast %mul3A_229 : i32 to index
        %get3A_231 = tpu.vector_load %arg9[%get3A_230] {strides = array<i32>} : memref<6688xf32, #tpu.memory_space<vmem>>, vector<16xf32>,
        %jit3A_232 = arith.constant 0 : i32
        %broadcast_in_dim3A_233 = vector.broadcast %jit3A_232 : i32 to vector<16xi32>
        %select_n3A_234 = arith.select %and3A_227, %sub3A_217, %broadcast_in_dim3A_233 : vector<16xi1>, vector<16xi32>
        tpu.vector_store_idx %arg7[%select_n3A_234], %get3A_231 masked %and3A_227 : memref<53504xf32, #tpu.memory_space<vmem>>[vector<16xi32>], vector<16xf32>, vector<16xi1>
        %scan3A_235 = arith.constant 5 : i32
        %scan3A_236 = arith.addi %scan3A_115, %scan3A_235 : i32
        %mul3A_237 = arith.constant 16 : i32
        %mul3A_238 = arith.muli %scan3A_236, %mul3A_237 : i32
        %get3A_239 = arith.index_cast %mul3A_238 : i32 to index
        %get3A_240 = tpu.vector_load %arg8[%get3A_239] {strides = array<i32>} : memref<6688xi32, #tpu.memory_space<vmem>>, vector<16xi32>,
        %sub3A_241 = vector.broadcast %add3A_35 : i32 to vector<16xi32>
        %sub3A_242 = arith.subi %get3A_240, %sub3A_241 : vector<16xi32>
        %ge3A_243 = arith.constant 0 : i32
        %ge3A_244 = vector.broadcast %ge3A_243 : i32 to vector<16xi32>
        %ge3A_245 = arith.cmpi sge, %sub3A_242, %ge3A_244 : vector<16xi32>
        %lt3A_246 = arith.constant 53504 : i32
        %lt3A_247 = vector.broadcast %lt3A_246 : i32 to vector<16xi32>
        %lt3A_248 = arith.cmpi slt, %sub3A_242, %lt3A_247 : vector<16xi32>
        %and3A_249 = arith.andi %ge3A_245, %lt3A_248 : vector<16xi1>
        %unique3A_250, %unique3A_251 = tpu.scan_count mask(%and3A_249 : vector<16xi1>) value(%sub3A_242 : vector<16xi32>) : vector<16xi1>, vector<16xi32>
        %and3A_252 = arith.andi %and3A_249, %unique3A_250 : vector<16xi1>
        %mul3A_253 = arith.constant 16 : i32
        %mul3A_254 = arith.muli %scan3A_236, %mul3A_253 : i32
        %get3A_255 = arith.index_cast %mul3A_254 : i32 to index
        %get3A_256 = tpu.vector_load %arg9[%get3A_255] {strides = array<i32>} : memref<6688xf32, #tpu.memory_space<vmem>>, vector<16xf32>,
        %jit3A_257 = arith.constant 0 : i32
        %broadcast_in_dim3A_258 = vector.broadcast %jit3A_257 : i32 to vector<16xi32>
        %select_n3A_259 = arith.select %and3A_252, %sub3A_242, %broadcast_in_dim3A_258 : vector<16xi1>, vector<16xi32>
        tpu.vector_store_idx %arg7[%select_n3A_259], %get3A_256 masked %and3A_252 : memref<53504xf32, #tpu.memory_space<vmem>>[vector<16xi32>], vector<16xf32>, vector<16xi1>
        %scan3A_260 = arith.constant 6 : i32
        %scan3A_261 = arith.addi %scan3A_115, %scan3A_260 : i32
        %mul3A_262 = arith.constant 16 : i32
        %mul3A_263 = arith.muli %scan3A_261, %mul3A_262 : i32
        %get3A_264 = arith.index_cast %mul3A_263 : i32 to index
        %get3A_265 = tpu.vector_load %arg8[%get3A_264] {strides = array<i32>} : memref<6688xi32, #tpu.memory_space<vmem>>, vector<16xi32>,
        %sub3A_266 = vector.broadcast %add3A_35 : i32 to vector<16xi32>
        %sub3A_267 = arith.subi %get3A_265, %sub3A_266 : vector<16xi32>
        %ge3A_268 = arith.constant 0 : i32
        %ge3A_269 = vector.broadcast %ge3A_268 : i32 to vector<16xi32>
        %ge3A_270 = arith.cmpi sge, %sub3A_267, %ge3A_269 : vector<16xi32>
        %lt3A_271 = arith.constant 53504 : i32
        %lt3A_272 = vector.broadcast %lt3A_271 : i32 to vector<16xi32>
        %lt3A_273 = arith.cmpi slt, %sub3A_267, %lt3A_272 : vector<16xi32>
        %and3A_274 = arith.andi %ge3A_270, %lt3A_273 : vector<16xi1>
        %unique3A_275, %unique3A_276 = tpu.scan_count mask(%and3A_274 : vector<16xi1>) value(%sub3A_267 : vector<16xi32>) : vector<16xi1>, vector<16xi32>
        %and3A_277 = arith.andi %and3A_274, %unique3A_275 : vector<16xi1>
        %mul3A_278 = arith.constant 16 : i32
        %mul3A_279 = arith.muli %scan3A_261, %mul3A_278 : i32
        %get3A_280 = arith.index_cast %mul3A_279 : i32 to index
        %get3A_281 = tpu.vector_load %arg9[%get3A_280] {strides = array<i32>} : memref<6688xf32, #tpu.memory_space<vmem>>, vector<16xf32>,
        %jit3A_282 = arith.constant 0 : i32
        %broadcast_in_dim3A_283 = vector.broadcast %jit3A_282 : i32 to vector<16xi32>
        %select_n3A_284 = arith.select %and3A_277, %sub3A_267, %broadcast_in_dim3A_283 : vector<16xi1>, vector<16xi32>
        tpu.vector_store_idx %arg7[%select_n3A_284], %get3A_281 masked %and3A_277 : memref<53504xf32, #tpu.memory_space<vmem>>[vector<16xi32>], vector<16xf32>, vector<16xi1>
        %scan3A_285 = arith.constant 7 : i32
        %scan3A_286 = arith.addi %scan3A_115, %scan3A_285 : i32
        %mul3A_287 = arith.constant 16 : i32
        %mul3A_288 = arith.muli %scan3A_286, %mul3A_287 : i32
        %get3A_289 = arith.index_cast %mul3A_288 : i32 to index
        %get3A_290 = tpu.vector_load %arg8[%get3A_289] {strides = array<i32>} : memref<6688xi32, #tpu.memory_space<vmem>>, vector<16xi32>,
        %sub3A_291 = vector.broadcast %add3A_35 : i32 to vector<16xi32>
        %sub3A_292 = arith.subi %get3A_290, %sub3A_291 : vector<16xi32>
        %ge3A_293 = arith.constant 0 : i32
        %ge3A_294 = vector.broadcast %ge3A_293 : i32 to vector<16xi32>
        %ge3A_295 = arith.cmpi sge, %sub3A_292, %ge3A_294 : vector<16xi32>
        %lt3A_296 = arith.constant 53504 : i32
        %lt3A_297 = vector.broadcast %lt3A_296 : i32 to vector<16xi32>
        %lt3A_298 = arith.cmpi slt, %sub3A_292, %lt3A_297 : vector<16xi32>
        %and3A_299 = arith.andi %ge3A_295, %lt3A_298 : vector<16xi1>
        %unique3A_300, %unique3A_301 = tpu.scan_count mask(%and3A_299 : vector<16xi1>) value(%sub3A_292 : vector<16xi32>) : vector<16xi1>, vector<16xi32>
        %and3A_302 = arith.andi %and3A_299, %unique3A_300 : vector<16xi1>
        %mul3A_303 = arith.constant 16 : i32
        %mul3A_304 = arith.muli %scan3A_286, %mul3A_303 : i32
        %get3A_305 = arith.index_cast %mul3A_304 : i32 to index
        %get3A_306 = tpu.vector_load %arg9[%get3A_305] {strides = array<i32>} : memref<6688xf32, #tpu.memory_space<vmem>>, vector<16xf32>,
        %jit3A_307 = arith.constant 0 : i32
        %broadcast_in_dim3A_308 = vector.broadcast %jit3A_307 : i32 to vector<16xi32>
        %select_n3A_309 = arith.select %and3A_302, %sub3A_292, %broadcast_in_dim3A_308 : vector<16xi1>, vector<16xi32>
        tpu.vector_store_idx %arg7[%select_n3A_309], %get3A_306 masked %and3A_302 : memref<53504xf32, #tpu.memory_space<vmem>>[vector<16xi32>], vector<16xf32>, vector<16xi1>
        %scan3A_310 = arith.constant 8 : i32
        %scan3A_311 = arith.addi %scan3A_115, %scan3A_310 : i32
        %mul3A_312 = arith.constant 16 : i32
        %mul3A_313 = arith.muli %scan3A_311, %mul3A_312 : i32
        %get3A_314 = arith.index_cast %mul3A_313 : i32 to index
        %get3A_315 = tpu.vector_load %arg8[%get3A_314] {strides = array<i32>} : memref<6688xi32, #tpu.memory_space<vmem>>, vector<16xi32>,
        %sub3A_316 = vector.broadcast %add3A_35 : i32 to vector<16xi32>
        %sub3A_317 = arith.subi %get3A_315, %sub3A_316 : vector<16xi32>
        %ge3A_318 = arith.constant 0 : i32
        %ge3A_319 = vector.broadcast %ge3A_318 : i32 to vector<16xi32>
        %ge3A_320 = arith.cmpi sge, %sub3A_317, %ge3A_319 : vector<16xi32>
        %lt3A_321 = arith.constant 53504 : i32
        %lt3A_322 = vector.broadcast %lt3A_321 : i32 to vector<16xi32>
        %lt3A_323 = arith.cmpi slt, %sub3A_317, %lt3A_322 : vector<16xi32>
        %and3A_324 = arith.andi %ge3A_320, %lt3A_323 : vector<16xi1>
        %unique3A_325, %unique3A_326 = tpu.scan_count mask(%and3A_324 : vector<16xi1>) value(%sub3A_317 : vector<16xi32>) : vector<16xi1>, vector<16xi32>
        %and3A_327 = arith.andi %and3A_324, %unique3A_325 : vector<16xi1>
        %mul3A_328 = arith.constant 16 : i32
        %mul3A_329 = arith.muli %scan3A_311, %mul3A_328 : i32
        %get3A_330 = arith.index_cast %mul3A_329 : i32 to index
        %get3A_331 = tpu.vector_load %arg9[%get3A_330] {strides = array<i32>} : memref<6688xf32, #tpu.memory_space<vmem>>, vector<16xf32>,
        %jit3A_332 = arith.constant 0 : i32
        %broadcast_in_dim3A_333 = vector.broadcast %jit3A_332 : i32 to vector<16xi32>
        %select_n3A_334 = arith.select %and3A_327, %sub3A_317, %broadcast_in_dim3A_333 : vector<16xi1>, vector<16xi32>
        tpu.vector_store_idx %arg7[%select_n3A_334], %get3A_331 masked %and3A_327 : memref<53504xf32, #tpu.memory_space<vmem>>[vector<16xi32>], vector<16xf32>, vector<16xi1>
        %scan3A_335 = arith.constant 9 : i32
        %scan3A_336 = arith.addi %scan3A_115, %scan3A_335 : i32
        %mul3A_337 = arith.constant 16 : i32
        %mul3A_338 = arith.muli %scan3A_336, %mul3A_337 : i32
        %get3A_339 = arith.index_cast %mul3A_338 : i32 to index
        %get3A_340 = tpu.vector_load %arg8[%get3A_339] {strides = array<i32>} : memref<6688xi32, #tpu.memory_space<vmem>>, vector<16xi32>,
        %sub3A_341 = vector.broadcast %add3A_35 : i32 to vector<16xi32>
        %sub3A_342 = arith.subi %get3A_340, %sub3A_341 : vector<16xi32>
        %ge3A_343 = arith.constant 0 : i32
        %ge3A_344 = vector.broadcast %ge3A_343 : i32 to vector<16xi32>
        %ge3A_345 = arith.cmpi sge, %sub3A_342, %ge3A_344 : vector<16xi32>
        %lt3A_346 = arith.constant 53504 : i32
        %lt3A_347 = vector.broadcast %lt3A_346 : i32 to vector<16xi32>
        %lt3A_348 = arith.cmpi slt, %sub3A_342, %lt3A_347 : vector<16xi32>
        %and3A_349 = arith.andi %ge3A_345, %lt3A_348 : vector<16xi1>
        %unique3A_350, %unique3A_351 = tpu.scan_count mask(%and3A_349 : vector<16xi1>) value(%sub3A_342 : vector<16xi32>) : vector<16xi1>, vector<16xi32>
        %and3A_352 = arith.andi %and3A_349, %unique3A_350 : vector<16xi1>
        %mul3A_353 = arith.constant 16 : i32
        %mul3A_354 = arith.muli %scan3A_336, %mul3A_353 : i32
        %get3A_355 = arith.index_cast %mul3A_354 : i32 to index
        %get3A_356 = tpu.vector_load %arg9[%get3A_355] {strides = array<i32>} : memref<6688xf32, #tpu.memory_space<vmem>>, vector<16xf32>,
        %jit3A_357 = arith.constant 0 : i32
        %broadcast_in_dim3A_358 = vector.broadcast %jit3A_357 : i32 to vector<16xi32>
        %select_n3A_359 = arith.select %and3A_352, %sub3A_342, %broadcast_in_dim3A_358 : vector<16xi1>, vector<16xi32>
        tpu.vector_store_idx %arg7[%select_n3A_359], %get3A_356 masked %and3A_352 : memref<53504xf32, #tpu.memory_space<vmem>>[vector<16xi32>], vector<16xf32>, vector<16xi1>
        %scan3A_360 = arith.constant 10 : i32
        %scan3A_361 = arith.addi %scan3A_115, %scan3A_360 : i32
        %mul3A_362 = arith.constant 16 : i32
        %mul3A_363 = arith.muli %scan3A_361, %mul3A_362 : i32
        %get3A_364 = arith.index_cast %mul3A_363 : i32 to index
        %get3A_365 = tpu.vector_load %arg8[%get3A_364] {strides = array<i32>} : memref<6688xi32, #tpu.memory_space<vmem>>, vector<16xi32>,
        %sub3A_366 = vector.broadcast %add3A_35 : i32 to vector<16xi32>
        %sub3A_367 = arith.subi %get3A_365, %sub3A_366 : vector<16xi32>
        %ge3A_368 = arith.constant 0 : i32
        %ge3A_369 = vector.broadcast %ge3A_368 : i32 to vector<16xi32>
        %ge3A_370 = arith.cmpi sge, %sub3A_367, %ge3A_369 : vector<16xi32>
        %lt3A_371 = arith.constant 53504 : i32
        %lt3A_372 = vector.broadcast %lt3A_371 : i32 to vector<16xi32>
        %lt3A_373 = arith.cmpi slt, %sub3A_367, %lt3A_372 : vector<16xi32>
        %and3A_374 = arith.andi %ge3A_370, %lt3A_373 : vector<16xi1>
        %unique3A_375, %unique3A_376 = tpu.scan_count mask(%and3A_374 : vector<16xi1>) value(%sub3A_367 : vector<16xi32>) : vector<16xi1>, vector<16xi32>
        %and3A_377 = arith.andi %and3A_374, %unique3A_375 : vector<16xi1>
        %mul3A_378 = arith.constant 16 : i32
        %mul3A_379 = arith.muli %scan3A_361, %mul3A_378 : i32
        %get3A_380 = arith.index_cast %mul3A_379 : i32 to index
        %get3A_381 = tpu.vector_load %arg9[%get3A_380] {strides = array<i32>} : memref<6688xf32, #tpu.memory_space<vmem>>, vector<16xf32>,
        %jit3A_382 = arith.constant 0 : i32
        %broadcast_in_dim3A_383 = vector.broadcast %jit3A_382 : i32 to vector<16xi32>
        %select_n3A_384 = arith.select %and3A_377, %sub3A_367, %broadcast_in_dim3A_383 : vector<16xi1>, vector<16xi32>
        tpu.vector_store_idx %arg7[%select_n3A_384], %get3A_381 masked %and3A_377 : memref<53504xf32, #tpu.memory_space<vmem>>[vector<16xi32>], vector<16xf32>, vector<16xi1>
      }
      %scan3A_114 = arith.constant 418 : i32
    }
    %scan3A_63 = arith.constant 64 : i32
    %mul3A_64 = arith.constant 1284096 : i32
    %mul3A_65 = arith.muli %select_n3A, %mul3A_64 : i32
    %add3A_66 = arith.constant 428032 : i32
    %add3A_67 = arith.addi %mul3A_65, %add3A_66 : i32
    %mul3A_68 = arith.constant 53504 : i32
    %mul3A_69 = arith.muli %select_n3A_30, %mul3A_68 : i32
    %add3A_70 = arith.addi %add3A_67, %mul3A_69 : i32
    %dma_start3A_71 = tpu.memref_slice %arg6[%add3A_70] : memref<5136384xf32, #tpu.memory_space<hbm>> -> memref<53504xf32, #tpu.memory_space<hbm>>
    %dma_start3A_72 = tpu.memref_slice %arg6[%add3A_70] : memref<5136384xf32, #tpu.memory_space<hbm>> -> memref<53504xf32, #tpu.memory_space<hbm>>
    tpu.enqueue_dma source(%arg7 : memref<53504xf32, #tpu.memory_space<vmem>>) target(%dma_start3A_72 : memref<53504xf32, #tpu.memory_space<hbm>>) target_semaphore(%arg10 : memref<!tpu.dma_semaphore, #tpu.memory_space<semaphore_mem>>)
    %dma_wait3A_73 = tpu.memref_slice %arg6[%add3A_70] : memref<5136384xf32, #tpu.memory_space<hbm>> -> memref<53504xf32, #tpu.memory_space<hbm>>
    %dma_wait3A_74 = tpu.memref_slice %arg6[%add3A_70] : memref<5136384xf32, #tpu.memory_space<hbm>> -> memref<53504xf32, #tpu.memory_space<hbm>>
    tpu.wait_dma2 semaphore(%arg10 : memref<!tpu.dma_semaphore, #tpu.memory_space<semaphore_mem>>) src(%arg7 : memref<53504xf32, #tpu.memory_space<vmem>>) dst(%dma_wait3A_74 : memref<53504xf32, #tpu.memory_space<hbm>>)
    %scan3A_75 = arith.constant 0 : i32
    %scan3A_76 = arith.constant 3344 : i32
    %scan3A_77 = arith.addi %scan3A_75, %scan3A_76 : i32
    %scan3A_78 = arith.constant 1 : i32
    scf.for %scan3A_96 = %scan3A_75 to %scan3A_77 step %scan3A_78  : i32 {
      %broadcast_in_dim3A = arith.constant 0.000000e+00 : f32
      %broadcast_in_dim3A_97 = vector.broadcast %broadcast_in_dim3A : f32 to vector<16xf32>
      %mul3A_98 = arith.constant 16 : i32
      %mul3A_99 = arith.muli %scan3A_96, %mul3A_98 : i32
      %swap3A = arith.index_cast %mul3A_99 : i32 to index
      %swap3A_100 = tpu.vector_load %arg7[%swap3A] {strides = array<i32>} : memref<53504xf32, #tpu.memory_space<vmem>>, vector<16xf32>,
      tpu.vector_store %arg7[%swap3A], %broadcast_in_dim3A_97 {strides = array<i32>} : memref<53504xf32, #tpu.memory_space<vmem>>, vector<16xf32>,
    }
    %scan3A_79 = arith.constant 3344 : i32
    %scan3A_80 = arith.constant 0 : i32
    %scan3A_81 = arith.constant 64 : i32
    %scan3A_82 = arith.addi %scan3A_80, %scan3A_81 : i32
    %scan3A_83 = arith.constant 1 : i32
    scf.for %scan3A_96 = %scan3A_80 to %scan3A_82 step %scan3A_83  : i32 {
      %mul3A_97 = arith.constant 428032 : i32
      %mul3A_98 = arith.muli %select_n3A, %mul3A_97 : i32
      %mul3A_99 = arith.constant 6688 : i32
      %mul3A_100 = arith.muli %scan3A_96, %mul3A_99 : i32
      %add3A_101 = arith.addi %mul3A_98, %mul3A_100 : i32
      %dma_start3A_102 = tpu.memref_slice %arg2[%add3A_101] : memref<1712128xi32, #tpu.memory_space<hbm>> -> memref<6688xi32, #tpu.memory_space<hbm>>
      %dma_start3A_103 = tpu.memref_slice %arg2[%add3A_101] : memref<1712128xi32, #tpu.memory_space<hbm>> -> memref<6688xi32, #tpu.memory_space<hbm>>
      tpu.enqueue_dma source(%dma_start3A_103 : memref<6688xi32, #tpu.memory_space<hbm>>) target(%arg8 : memref<6688xi32, #tpu.memory_space<vmem>>) target_semaphore(%arg10 : memref<!tpu.dma_semaphore, #tpu.memory_space<semaphore_mem>>)
      %dma_start3A_104 = tpu.memref_slice %arg5[%add3A_101] : memref<1712128xf32, #tpu.memory_space<hbm>> -> memref<6688xf32, #tpu.memory_space<hbm>>
      %dma_start3A_105 = tpu.memref_slice %arg5[%add3A_101] : memref<1712128xf32, #tpu.memory_space<hbm>> -> memref<6688xf32, #tpu.memory_space<hbm>>
      tpu.enqueue_dma source(%dma_start3A_105 : memref<6688xf32, #tpu.memory_space<hbm>>) target(%arg9 : memref<6688xf32, #tpu.memory_space<vmem>>) target_semaphore(%arg11 : memref<!tpu.dma_semaphore, #tpu.memory_space<semaphore_mem>>)
      %dma_wait3A_106 = tpu.memref_slice %arg2[%add3A_101] : memref<1712128xi32, #tpu.memory_space<hbm>> -> memref<6688xi32, #tpu.memory_space<hbm>>
      %dma_wait3A_107 = tpu.memref_slice %arg2[%add3A_101] : memref<1712128xi32, #tpu.memory_space<hbm>> -> memref<6688xi32, #tpu.memory_space<hbm>>
      tpu.wait_dma2 semaphore(%arg10 : memref<!tpu.dma_semaphore, #tpu.memory_space<semaphore_mem>>) src(%dma_wait3A_107 : memref<6688xi32, #tpu.memory_space<hbm>>) dst(%arg8 : memref<6688xi32, #tpu.memory_space<vmem>>)
      %dma_wait3A_108 = tpu.memref_slice %arg5[%add3A_101] : memref<1712128xf32, #tpu.memory_space<hbm>> -> memref<6688xf32, #tpu.memory_space<hbm>>
      %dma_wait3A_109 = tpu.memref_slice %arg5[%add3A_101] : memref<1712128xf32, #tpu.memory_space<hbm>> -> memref<6688xf32, #tpu.memory_space<hbm>>
      tpu.wait_dma2 semaphore(%arg11 : memref<!tpu.dma_semaphore, #tpu.memory_space<semaphore_mem>>) src(%dma_wait3A_109 : memref<6688xf32, #tpu.memory_space<hbm>>) dst(%arg9 : memref<6688xf32, #tpu.memory_space<vmem>>)
      %scan3A_110 = arith.constant 0 : i32
      %scan3A_111 = arith.constant 418 : i32
      %scan3A_112 = arith.addi %scan3A_110, %scan3A_111 : i32
      %scan3A_113 = arith.constant 11 : i32
      scf.for %scan3A_115 = %scan3A_110 to %scan3A_112 step %scan3A_113  : i32 {
        %mul3A_116 = arith.constant 16 : i32
        %mul3A_117 = arith.muli %scan3A_115, %mul3A_116 : i32
        %get3A = arith.index_cast %mul3A_117 : i32 to index
        %get3A_118 = tpu.vector_load %arg8[%get3A] {strides = array<i32>} : memref<6688xi32, #tpu.memory_space<vmem>>, vector<16xi32>,
        %sub3A_119 = vector.broadcast %add3A_35 : i32 to vector<16xi32>
        %sub3A_120 = arith.subi %get3A_118, %sub3A_119 : vector<16xi32>
        %ge3A = arith.constant 0 : i32
        %ge3A_121 = vector.broadcast %ge3A : i32 to vector<16xi32>
        %ge3A_122 = arith.cmpi sge, %sub3A_120, %ge3A_121 : vector<16xi32>
        %lt3A_123 = arith.constant 53504 : i32
        %lt3A_124 = vector.broadcast %lt3A_123 : i32 to vector<16xi32>
        %lt3A_125 = arith.cmpi slt, %sub3A_120, %lt3A_124 : vector<16xi32>
        %and3A_126 = arith.andi %ge3A_122, %lt3A_125 : vector<16xi1>
        %unique3A, %unique3A_127 = tpu.scan_count mask(%and3A_126 : vector<16xi1>) value(%sub3A_120 : vector<16xi32>) : vector<16xi1>, vector<16xi32>
        %and3A_128 = arith.andi %and3A_126, %unique3A : vector<16xi1>
        %mul3A_129 = arith.constant 16 : i32
        %mul3A_130 = arith.muli %scan3A_115, %mul3A_129 : i32
        %get3A_131 = arith.index_cast %mul3A_130 : i32 to index
        %get3A_132 = tpu.vector_load %arg9[%get3A_131] {strides = array<i32>} : memref<6688xf32, #tpu.memory_space<vmem>>, vector<16xf32>,
        %jit3A_133 = arith.constant 0 : i32
        %broadcast_in_dim3A = vector.broadcast %jit3A_133 : i32 to vector<16xi32>
        %select_n3A_134 = arith.select %and3A_128, %sub3A_120, %broadcast_in_dim3A : vector<16xi1>, vector<16xi32>
        tpu.vector_store_idx %arg7[%select_n3A_134], %get3A_132 masked %and3A_128 : memref<53504xf32, #tpu.memory_space<vmem>>[vector<16xi32>], vector<16xf32>, vector<16xi1>
        %scan3A_135 = arith.constant 1 : i32
        %scan3A_136 = arith.addi %scan3A_115, %scan3A_135 : i32
        %mul3A_137 = arith.constant 16 : i32
        %mul3A_138 = arith.muli %scan3A_136, %mul3A_137 : i32
        %get3A_139 = arith.index_cast %mul3A_138 : i32 to index
        %get3A_140 = tpu.vector_load %arg8[%get3A_139] {strides = array<i32>} : memref<6688xi32, #tpu.memory_space<vmem>>, vector<16xi32>,
        %sub3A_141 = vector.broadcast %add3A_35 : i32 to vector<16xi32>
        %sub3A_142 = arith.subi %get3A_140, %sub3A_141 : vector<16xi32>
        %ge3A_143 = arith.constant 0 : i32
        %ge3A_144 = vector.broadcast %ge3A_143 : i32 to vector<16xi32>
        %ge3A_145 = arith.cmpi sge, %sub3A_142, %ge3A_144 : vector<16xi32>
        %lt3A_146 = arith.constant 53504 : i32
        %lt3A_147 = vector.broadcast %lt3A_146 : i32 to vector<16xi32>
        %lt3A_148 = arith.cmpi slt, %sub3A_142, %lt3A_147 : vector<16xi32>
        %and3A_149 = arith.andi %ge3A_145, %lt3A_148 : vector<16xi1>
        %unique3A_150, %unique3A_151 = tpu.scan_count mask(%and3A_149 : vector<16xi1>) value(%sub3A_142 : vector<16xi32>) : vector<16xi1>, vector<16xi32>
        %and3A_152 = arith.andi %and3A_149, %unique3A_150 : vector<16xi1>
        %mul3A_153 = arith.constant 16 : i32
        %mul3A_154 = arith.muli %scan3A_136, %mul3A_153 : i32
        %get3A_155 = arith.index_cast %mul3A_154 : i32 to index
        %get3A_156 = tpu.vector_load %arg9[%get3A_155] {strides = array<i32>} : memref<6688xf32, #tpu.memory_space<vmem>>, vector<16xf32>,
        %jit3A_157 = arith.constant 0 : i32
        %broadcast_in_dim3A_158 = vector.broadcast %jit3A_157 : i32 to vector<16xi32>
        %select_n3A_159 = arith.select %and3A_152, %sub3A_142, %broadcast_in_dim3A_158 : vector<16xi1>, vector<16xi32>
        tpu.vector_store_idx %arg7[%select_n3A_159], %get3A_156 masked %and3A_152 : memref<53504xf32, #tpu.memory_space<vmem>>[vector<16xi32>], vector<16xf32>, vector<16xi1>
        %scan3A_160 = arith.constant 2 : i32
        %scan3A_161 = arith.addi %scan3A_115, %scan3A_160 : i32
        %mul3A_162 = arith.constant 16 : i32
        %mul3A_163 = arith.muli %scan3A_161, %mul3A_162 : i32
        %get3A_164 = arith.index_cast %mul3A_163 : i32 to index
        %get3A_165 = tpu.vector_load %arg8[%get3A_164] {strides = array<i32>} : memref<6688xi32, #tpu.memory_space<vmem>>, vector<16xi32>,
        %sub3A_166 = vector.broadcast %add3A_35 : i32 to vector<16xi32>
        %sub3A_167 = arith.subi %get3A_165, %sub3A_166 : vector<16xi32>
        %ge3A_168 = arith.constant 0 : i32
        %ge3A_169 = vector.broadcast %ge3A_168 : i32 to vector<16xi32>
        %ge3A_170 = arith.cmpi sge, %sub3A_167, %ge3A_169 : vector<16xi32>
        %lt3A_171 = arith.constant 53504 : i32
        %lt3A_172 = vector.broadcast %lt3A_171 : i32 to vector<16xi32>
        %lt3A_173 = arith.cmpi slt, %sub3A_167, %lt3A_172 : vector<16xi32>
        %and3A_174 = arith.andi %ge3A_170, %lt3A_173 : vector<16xi1>
        %unique3A_175, %unique3A_176 = tpu.scan_count mask(%and3A_174 : vector<16xi1>) value(%sub3A_167 : vector<16xi32>) : vector<16xi1>, vector<16xi32>
        %and3A_177 = arith.andi %and3A_174, %unique3A_175 : vector<16xi1>
        %mul3A_178 = arith.constant 16 : i32
        %mul3A_179 = arith.muli %scan3A_161, %mul3A_178 : i32
        %get3A_180 = arith.index_cast %mul3A_179 : i32 to index
        %get3A_181 = tpu.vector_load %arg9[%get3A_180] {strides = array<i32>} : memref<6688xf32, #tpu.memory_space<vmem>>, vector<16xf32>,
        %jit3A_182 = arith.constant 0 : i32
        %broadcast_in_dim3A_183 = vector.broadcast %jit3A_182 : i32 to vector<16xi32>
        %select_n3A_184 = arith.select %and3A_177, %sub3A_167, %broadcast_in_dim3A_183 : vector<16xi1>, vector<16xi32>
        tpu.vector_store_idx %arg7[%select_n3A_184], %get3A_181 masked %and3A_177 : memref<53504xf32, #tpu.memory_space<vmem>>[vector<16xi32>], vector<16xf32>, vector<16xi1>
        %scan3A_185 = arith.constant 3 : i32
        %scan3A_186 = arith.addi %scan3A_115, %scan3A_185 : i32
        %mul3A_187 = arith.constant 16 : i32
        %mul3A_188 = arith.muli %scan3A_186, %mul3A_187 : i32
        %get3A_189 = arith.index_cast %mul3A_188 : i32 to index
        %get3A_190 = tpu.vector_load %arg8[%get3A_189] {strides = array<i32>} : memref<6688xi32, #tpu.memory_space<vmem>>, vector<16xi32>,
        %sub3A_191 = vector.broadcast %add3A_35 : i32 to vector<16xi32>
        %sub3A_192 = arith.subi %get3A_190, %sub3A_191 : vector<16xi32>
        %ge3A_193 = arith.constant 0 : i32
        %ge3A_194 = vector.broadcast %ge3A_193 : i32 to vector<16xi32>
        %ge3A_195 = arith.cmpi sge, %sub3A_192, %ge3A_194 : vector<16xi32>
        %lt3A_196 = arith.constant 53504 : i32
        %lt3A_197 = vector.broadcast %lt3A_196 : i32 to vector<16xi32>
        %lt3A_198 = arith.cmpi slt, %sub3A_192, %lt3A_197 : vector<16xi32>
        %and3A_199 = arith.andi %ge3A_195, %lt3A_198 : vector<16xi1>
        %unique3A_200, %unique3A_201 = tpu.scan_count mask(%and3A_199 : vector<16xi1>) value(%sub3A_192 : vector<16xi32>) : vector<16xi1>, vector<16xi32>
        %and3A_202 = arith.andi %and3A_199, %unique3A_200 : vector<16xi1>
        %mul3A_203 = arith.constant 16 : i32
        %mul3A_204 = arith.muli %scan3A_186, %mul3A_203 : i32
        %get3A_205 = arith.index_cast %mul3A_204 : i32 to index
        %get3A_206 = tpu.vector_load %arg9[%get3A_205] {strides = array<i32>} : memref<6688xf32, #tpu.memory_space<vmem>>, vector<16xf32>,
        %jit3A_207 = arith.constant 0 : i32
        %broadcast_in_dim3A_208 = vector.broadcast %jit3A_207 : i32 to vector<16xi32>
        %select_n3A_209 = arith.select %and3A_202, %sub3A_192, %broadcast_in_dim3A_208 : vector<16xi1>, vector<16xi32>
        tpu.vector_store_idx %arg7[%select_n3A_209], %get3A_206 masked %and3A_202 : memref<53504xf32, #tpu.memory_space<vmem>>[vector<16xi32>], vector<16xf32>, vector<16xi1>
        %scan3A_210 = arith.constant 4 : i32
        %scan3A_211 = arith.addi %scan3A_115, %scan3A_210 : i32
        %mul3A_212 = arith.constant 16 : i32
        %mul3A_213 = arith.muli %scan3A_211, %mul3A_212 : i32
        %get3A_214 = arith.index_cast %mul3A_213 : i32 to index
        %get3A_215 = tpu.vector_load %arg8[%get3A_214] {strides = array<i32>} : memref<6688xi32, #tpu.memory_space<vmem>>, vector<16xi32>,
        %sub3A_216 = vector.broadcast %add3A_35 : i32 to vector<16xi32>
        %sub3A_217 = arith.subi %get3A_215, %sub3A_216 : vector<16xi32>
        %ge3A_218 = arith.constant 0 : i32
        %ge3A_219 = vector.broadcast %ge3A_218 : i32 to vector<16xi32>
        %ge3A_220 = arith.cmpi sge, %sub3A_217, %ge3A_219 : vector<16xi32>
        %lt3A_221 = arith.constant 53504 : i32
        %lt3A_222 = vector.broadcast %lt3A_221 : i32 to vector<16xi32>
        %lt3A_223 = arith.cmpi slt, %sub3A_217, %lt3A_222 : vector<16xi32>
        %and3A_224 = arith.andi %ge3A_220, %lt3A_223 : vector<16xi1>
        %unique3A_225, %unique3A_226 = tpu.scan_count mask(%and3A_224 : vector<16xi1>) value(%sub3A_217 : vector<16xi32>) : vector<16xi1>, vector<16xi32>
        %and3A_227 = arith.andi %and3A_224, %unique3A_225 : vector<16xi1>
        %mul3A_228 = arith.constant 16 : i32
        %mul3A_229 = arith.muli %scan3A_211, %mul3A_228 : i32
        %get3A_230 = arith.index_cast %mul3A_229 : i32 to index
        %get3A_231 = tpu.vector_load %arg9[%get3A_230] {strides = array<i32>} : memref<6688xf32, #tpu.memory_space<vmem>>, vector<16xf32>,
        %jit3A_232 = arith.constant 0 : i32
        %broadcast_in_dim3A_233 = vector.broadcast %jit3A_232 : i32 to vector<16xi32>
        %select_n3A_234 = arith.select %and3A_227, %sub3A_217, %broadcast_in_dim3A_233 : vector<16xi1>, vector<16xi32>
        tpu.vector_store_idx %arg7[%select_n3A_234], %get3A_231 masked %and3A_227 : memref<53504xf32, #tpu.memory_space<vmem>>[vector<16xi32>], vector<16xf32>, vector<16xi1>
        %scan3A_235 = arith.constant 5 : i32
        %scan3A_236 = arith.addi %scan3A_115, %scan3A_235 : i32
        %mul3A_237 = arith.constant 16 : i32
        %mul3A_238 = arith.muli %scan3A_236, %mul3A_237 : i32
        %get3A_239 = arith.index_cast %mul3A_238 : i32 to index
        %get3A_240 = tpu.vector_load %arg8[%get3A_239] {strides = array<i32>} : memref<6688xi32, #tpu.memory_space<vmem>>, vector<16xi32>,
        %sub3A_241 = vector.broadcast %add3A_35 : i32 to vector<16xi32>
        %sub3A_242 = arith.subi %get3A_240, %sub3A_241 : vector<16xi32>
        %ge3A_243 = arith.constant 0 : i32
        %ge3A_244 = vector.broadcast %ge3A_243 : i32 to vector<16xi32>
        %ge3A_245 = arith.cmpi sge, %sub3A_242, %ge3A_244 : vector<16xi32>
        %lt3A_246 = arith.constant 53504 : i32
        %lt3A_247 = vector.broadcast %lt3A_246 : i32 to vector<16xi32>
        %lt3A_248 = arith.cmpi slt, %sub3A_242, %lt3A_247 : vector<16xi32>
        %and3A_249 = arith.andi %ge3A_245, %lt3A_248 : vector<16xi1>
        %unique3A_250, %unique3A_251 = tpu.scan_count mask(%and3A_249 : vector<16xi1>) value(%sub3A_242 : vector<16xi32>) : vector<16xi1>, vector<16xi32>
        %and3A_252 = arith.andi %and3A_249, %unique3A_250 : vector<16xi1>
        %mul3A_253 = arith.constant 16 : i32
        %mul3A_254 = arith.muli %scan3A_236, %mul3A_253 : i32
        %get3A_255 = arith.index_cast %mul3A_254 : i32 to index
        %get3A_256 = tpu.vector_load %arg9[%get3A_255] {strides = array<i32>} : memref<6688xf32, #tpu.memory_space<vmem>>, vector<16xf32>,
        %jit3A_257 = arith.constant 0 : i32
        %broadcast_in_dim3A_258 = vector.broadcast %jit3A_257 : i32 to vector<16xi32>
        %select_n3A_259 = arith.select %and3A_252, %sub3A_242, %broadcast_in_dim3A_258 : vector<16xi1>, vector<16xi32>
        tpu.vector_store_idx %arg7[%select_n3A_259], %get3A_256 masked %and3A_252 : memref<53504xf32, #tpu.memory_space<vmem>>[vector<16xi32>], vector<16xf32>, vector<16xi1>
        %scan3A_260 = arith.constant 6 : i32
        %scan3A_261 = arith.addi %scan3A_115, %scan3A_260 : i32
        %mul3A_262 = arith.constant 16 : i32
        %mul3A_263 = arith.muli %scan3A_261, %mul3A_262 : i32
        %get3A_264 = arith.index_cast %mul3A_263 : i32 to index
        %get3A_265 = tpu.vector_load %arg8[%get3A_264] {strides = array<i32>} : memref<6688xi32, #tpu.memory_space<vmem>>, vector<16xi32>,
        %sub3A_266 = vector.broadcast %add3A_35 : i32 to vector<16xi32>
        %sub3A_267 = arith.subi %get3A_265, %sub3A_266 : vector<16xi32>
        %ge3A_268 = arith.constant 0 : i32
        %ge3A_269 = vector.broadcast %ge3A_268 : i32 to vector<16xi32>
        %ge3A_270 = arith.cmpi sge, %sub3A_267, %ge3A_269 : vector<16xi32>
        %lt3A_271 = arith.constant 53504 : i32
        %lt3A_272 = vector.broadcast %lt3A_271 : i32 to vector<16xi32>
        %lt3A_273 = arith.cmpi slt, %sub3A_267, %lt3A_272 : vector<16xi32>
        %and3A_274 = arith.andi %ge3A_270, %lt3A_273 : vector<16xi1>
        %unique3A_275, %unique3A_276 = tpu.scan_count mask(%and3A_274 : vector<16xi1>) value(%sub3A_267 : vector<16xi32>) : vector<16xi1>, vector<16xi32>
        %and3A_277 = arith.andi %and3A_274, %unique3A_275 : vector<16xi1>
        %mul3A_278 = arith.constant 16 : i32
        %mul3A_279 = arith.muli %scan3A_261, %mul3A_278 : i32
        %get3A_280 = arith.index_cast %mul3A_279 : i32 to index
        %get3A_281 = tpu.vector_load %arg9[%get3A_280] {strides = array<i32>} : memref<6688xf32, #tpu.memory_space<vmem>>, vector<16xf32>,
        %jit3A_282 = arith.constant 0 : i32
        %broadcast_in_dim3A_283 = vector.broadcast %jit3A_282 : i32 to vector<16xi32>
        %select_n3A_284 = arith.select %and3A_277, %sub3A_267, %broadcast_in_dim3A_283 : vector<16xi1>, vector<16xi32>
        tpu.vector_store_idx %arg7[%select_n3A_284], %get3A_281 masked %and3A_277 : memref<53504xf32, #tpu.memory_space<vmem>>[vector<16xi32>], vector<16xf32>, vector<16xi1>
        %scan3A_285 = arith.constant 7 : i32
        %scan3A_286 = arith.addi %scan3A_115, %scan3A_285 : i32
        %mul3A_287 = arith.constant 16 : i32
        %mul3A_288 = arith.muli %scan3A_286, %mul3A_287 : i32
        %get3A_289 = arith.index_cast %mul3A_288 : i32 to index
        %get3A_290 = tpu.vector_load %arg8[%get3A_289] {strides = array<i32>} : memref<6688xi32, #tpu.memory_space<vmem>>, vector<16xi32>,
        %sub3A_291 = vector.broadcast %add3A_35 : i32 to vector<16xi32>
        %sub3A_292 = arith.subi %get3A_290, %sub3A_291 : vector<16xi32>
        %ge3A_293 = arith.constant 0 : i32
        %ge3A_294 = vector.broadcast %ge3A_293 : i32 to vector<16xi32>
        %ge3A_295 = arith.cmpi sge, %sub3A_292, %ge3A_294 : vector<16xi32>
        %lt3A_296 = arith.constant 53504 : i32
        %lt3A_297 = vector.broadcast %lt3A_296 : i32 to vector<16xi32>
        %lt3A_298 = arith.cmpi slt, %sub3A_292, %lt3A_297 : vector<16xi32>
        %and3A_299 = arith.andi %ge3A_295, %lt3A_298 : vector<16xi1>
        %unique3A_300, %unique3A_301 = tpu.scan_count mask(%and3A_299 : vector<16xi1>) value(%sub3A_292 : vector<16xi32>) : vector<16xi1>, vector<16xi32>
        %and3A_302 = arith.andi %and3A_299, %unique3A_300 : vector<16xi1>
        %mul3A_303 = arith.constant 16 : i32
        %mul3A_304 = arith.muli %scan3A_286, %mul3A_303 : i32
        %get3A_305 = arith.index_cast %mul3A_304 : i32 to index
        %get3A_306 = tpu.vector_load %arg9[%get3A_305] {strides = array<i32>} : memref<6688xf32, #tpu.memory_space<vmem>>, vector<16xf32>,
        %jit3A_307 = arith.constant 0 : i32
        %broadcast_in_dim3A_308 = vector.broadcast %jit3A_307 : i32 to vector<16xi32>
        %select_n3A_309 = arith.select %and3A_302, %sub3A_292, %broadcast_in_dim3A_308 : vector<16xi1>, vector<16xi32>
        tpu.vector_store_idx %arg7[%select_n3A_309], %get3A_306 masked %and3A_302 : memref<53504xf32, #tpu.memory_space<vmem>>[vector<16xi32>], vector<16xf32>, vector<16xi1>
        %scan3A_310 = arith.constant 8 : i32
        %scan3A_311 = arith.addi %scan3A_115, %scan3A_310 : i32
        %mul3A_312 = arith.constant 16 : i32
        %mul3A_313 = arith.muli %scan3A_311, %mul3A_312 : i32
        %get3A_314 = arith.index_cast %mul3A_313 : i32 to index
        %get3A_315 = tpu.vector_load %arg8[%get3A_314] {strides = array<i32>} : memref<6688xi32, #tpu.memory_space<vmem>>, vector<16xi32>,
        %sub3A_316 = vector.broadcast %add3A_35 : i32 to vector<16xi32>
        %sub3A_317 = arith.subi %get3A_315, %sub3A_316 : vector<16xi32>
        %ge3A_318 = arith.constant 0 : i32
        %ge3A_319 = vector.broadcast %ge3A_318 : i32 to vector<16xi32>
        %ge3A_320 = arith.cmpi sge, %sub3A_317, %ge3A_319 : vector<16xi32>
        %lt3A_321 = arith.constant 53504 : i32
        %lt3A_322 = vector.broadcast %lt3A_321 : i32 to vector<16xi32>
        %lt3A_323 = arith.cmpi slt, %sub3A_317, %lt3A_322 : vector<16xi32>
        %and3A_324 = arith.andi %ge3A_320, %lt3A_323 : vector<16xi1>
        %unique3A_325, %unique3A_326 = tpu.scan_count mask(%and3A_324 : vector<16xi1>) value(%sub3A_317 : vector<16xi32>) : vector<16xi1>, vector<16xi32>
        %and3A_327 = arith.andi %and3A_324, %unique3A_325 : vector<16xi1>
        %mul3A_328 = arith.constant 16 : i32
        %mul3A_329 = arith.muli %scan3A_311, %mul3A_328 : i32
        %get3A_330 = arith.index_cast %mul3A_329 : i32 to index
        %get3A_331 = tpu.vector_load %arg9[%get3A_330] {strides = array<i32>} : memref<6688xf32, #tpu.memory_space<vmem>>, vector<16xf32>,
        %jit3A_332 = arith.constant 0 : i32
        %broadcast_in_dim3A_333 = vector.broadcast %jit3A_332 : i32 to vector<16xi32>
        %select_n3A_334 = arith.select %and3A_327, %sub3A_317, %broadcast_in_dim3A_333 : vector<16xi1>, vector<16xi32>
        tpu.vector_store_idx %arg7[%select_n3A_334], %get3A_331 masked %and3A_327 : memref<53504xf32, #tpu.memory_space<vmem>>[vector<16xi32>], vector<16xf32>, vector<16xi1>
        %scan3A_335 = arith.constant 9 : i32
        %scan3A_336 = arith.addi %scan3A_115, %scan3A_335 : i32
        %mul3A_337 = arith.constant 16 : i32
        %mul3A_338 = arith.muli %scan3A_336, %mul3A_337 : i32
        %get3A_339 = arith.index_cast %mul3A_338 : i32 to index
        %get3A_340 = tpu.vector_load %arg8[%get3A_339] {strides = array<i32>} : memref<6688xi32, #tpu.memory_space<vmem>>, vector<16xi32>,
        %sub3A_341 = vector.broadcast %add3A_35 : i32 to vector<16xi32>
        %sub3A_342 = arith.subi %get3A_340, %sub3A_341 : vector<16xi32>
        %ge3A_343 = arith.constant 0 : i32
        %ge3A_344 = vector.broadcast %ge3A_343 : i32 to vector<16xi32>
        %ge3A_345 = arith.cmpi sge, %sub3A_342, %ge3A_344 : vector<16xi32>
        %lt3A_346 = arith.constant 53504 : i32
        %lt3A_347 = vector.broadcast %lt3A_346 : i32 to vector<16xi32>
        %lt3A_348 = arith.cmpi slt, %sub3A_342, %lt3A_347 : vector<16xi32>
        %and3A_349 = arith.andi %ge3A_345, %lt3A_348 : vector<16xi1>
        %unique3A_350, %unique3A_351 = tpu.scan_count mask(%and3A_349 : vector<16xi1>) value(%sub3A_342 : vector<16xi32>) : vector<16xi1>, vector<16xi32>
        %and3A_352 = arith.andi %and3A_349, %unique3A_350 : vector<16xi1>
        %mul3A_353 = arith.constant 16 : i32
        %mul3A_354 = arith.muli %scan3A_336, %mul3A_353 : i32
        %get3A_355 = arith.index_cast %mul3A_354 : i32 to index
        %get3A_356 = tpu.vector_load %arg9[%get3A_355] {strides = array<i32>} : memref<6688xf32, #tpu.memory_space<vmem>>, vector<16xf32>,
        %jit3A_357 = arith.constant 0 : i32
        %broadcast_in_dim3A_358 = vector.broadcast %jit3A_357 : i32 to vector<16xi32>
        %select_n3A_359 = arith.select %and3A_352, %sub3A_342, %broadcast_in_dim3A_358 : vector<16xi1>, vector<16xi32>
        tpu.vector_store_idx %arg7[%select_n3A_359], %get3A_356 masked %and3A_352 : memref<53504xf32, #tpu.memory_space<vmem>>[vector<16xi32>], vector<16xf32>, vector<16xi1>
        %scan3A_360 = arith.constant 10 : i32
        %scan3A_361 = arith.addi %scan3A_115, %scan3A_360 : i32
        %mul3A_362 = arith.constant 16 : i32
        %mul3A_363 = arith.muli %scan3A_361, %mul3A_362 : i32
        %get3A_364 = arith.index_cast %mul3A_363 : i32 to index
        %get3A_365 = tpu.vector_load %arg8[%get3A_364] {strides = array<i32>} : memref<6688xi32, #tpu.memory_space<vmem>>, vector<16xi32>,
        %sub3A_366 = vector.broadcast %add3A_35 : i32 to vector<16xi32>
        %sub3A_367 = arith.subi %get3A_365, %sub3A_366 : vector<16xi32>
        %ge3A_368 = arith.constant 0 : i32
        %ge3A_369 = vector.broadcast %ge3A_368 : i32 to vector<16xi32>
        %ge3A_370 = arith.cmpi sge, %sub3A_367, %ge3A_369 : vector<16xi32>
        %lt3A_371 = arith.constant 53504 : i32
        %lt3A_372 = vector.broadcast %lt3A_371 : i32 to vector<16xi32>
        %lt3A_373 = arith.cmpi slt, %sub3A_367, %lt3A_372 : vector<16xi32>
        %and3A_374 = arith.andi %ge3A_370, %lt3A_373 : vector<16xi1>
        %unique3A_375, %unique3A_376 = tpu.scan_count mask(%and3A_374 : vector<16xi1>) value(%sub3A_367 : vector<16xi32>) : vector<16xi1>, vector<16xi32>
        %and3A_377 = arith.andi %and3A_374, %unique3A_375 : vector<16xi1>
        %mul3A_378 = arith.constant 16 : i32
        %mul3A_379 = arith.muli %scan3A_361, %mul3A_378 : i32
        %get3A_380 = arith.index_cast %mul3A_379 : i32 to index
        %get3A_381 = tpu.vector_load %arg9[%get3A_380] {strides = array<i32>} : memref<6688xf32, #tpu.memory_space<vmem>>, vector<16xf32>,
        %jit3A_382 = arith.constant 0 : i32
        %broadcast_in_dim3A_383 = vector.broadcast %jit3A_382 : i32 to vector<16xi32>
        %select_n3A_384 = arith.select %and3A_377, %sub3A_367, %broadcast_in_dim3A_383 : vector<16xi1>, vector<16xi32>
        tpu.vector_store_idx %arg7[%select_n3A_384], %get3A_381 masked %and3A_377 : memref<53504xf32, #tpu.memory_space<vmem>>[vector<16xi32>], vector<16xf32>, vector<16xi1>
      }
      %scan3A_114 = arith.constant 418 : i32
    }
    %scan3A_84 = arith.constant 64 : i32
    %mul3A_85 = arith.constant 1284096 : i32
    %mul3A_86 = arith.muli %select_n3A, %mul3A_85 : i32
    %add3A_87 = arith.constant 856064 : i32
    %add3A_88 = arith.addi %mul3A_86, %add3A_87 : i32
    %mul3A_89 = arith.constant 53504 : i32
    %mul3A_90 = arith.muli %select_n3A_30, %mul3A_89 : i32
    %add3A_91 = arith.addi %add3A_88, %mul3A_90 : i32
    %dma_start3A_92 = tpu.memref_slice %arg6[%add3A_91] : memref<5136384xf32, #tpu.memory_space<hbm>> -> memref<53504xf32, #tpu.memory_space<hbm>>
    %dma_start3A_93 = tpu.memref_slice %arg6[%add3A_91] : memref<5136384xf32, #tpu.memory_space<hbm>> -> memref<53504xf32, #tpu.memory_space<hbm>>
    tpu.enqueue_dma source(%arg7 : memref<53504xf32, #tpu.memory_space<vmem>>) target(%dma_start3A_93 : memref<53504xf32, #tpu.memory_space<hbm>>) target_semaphore(%arg10 : memref<!tpu.dma_semaphore, #tpu.memory_space<semaphore_mem>>)
    %dma_wait3A_94 = tpu.memref_slice %arg6[%add3A_91] : memref<5136384xf32, #tpu.memory_space<hbm>> -> memref<53504xf32, #tpu.memory_space<hbm>>
    %dma_wait3A_95 = tpu.memref_slice %arg6[%add3A_91] : memref<5136384xf32, #tpu.memory_space<hbm>> -> memref<53504xf32, #tpu.memory_space<hbm>>
    tpu.wait_dma2 semaphore(%arg10 : memref<!tpu.dma_semaphore, #tpu.memory_space<semaphore_mem>>) src(%arg7 : memref<53504xf32, #tpu.memory_space<vmem>>) dst(%dma_wait3A_95 : memref<53504xf32, #tpu.memory_space<hbm>>)
    return
  }
}

</mosaic_0001>

<sc_bundles>
// kernel: _sc_scatter.3.cloned.1.call-start
scs
__scs_entry_jumppad:
0x0: {  	(pc) =	sbr.rel $0x88, $3  }
0x1: {  	(tag) =	ssettag $0x0;
	lr =	simm.s32 $0x1  }
0x2: {  	[smem:$0x3F9D] =	sst lr;
	_ =	strace $0xD0000000  }
0x3: {  	_ = 	snop  }
0x4: {  	_ = 	snop  }
0x5: {  	_ = 	snop  }
0x6: {  	_ = 	snop  }
0x7: {  	_ = 	snop  }
__scs_overlays_trampoline_lowered:
0x8: {  	[smem:$0x3FAC] =	sst s0  }
0x9: {  	[smem:$0x3FAD] =	sst s1  }
0xa: {  	[smem:$0x3FAE] =	sst s2  }
0xb: {  	[smem:$0x3FAF] =	sst s3  }
0xc: {  	[smem:$0x3FB0] =	sst s4  }
0xd: {  	[smem:$0x3FB1] =	sst s5  }
0xe: {  	[smem:$0x3FB2] =	sst s6  }
0xf: {  	[smem:$0x3FB3] =	sst s7  }
0x10: {  	[smem:$0x3FB4] =	sst s8  }
0x11: {  	[smem:$0x3FB5] =	sst s9;
	s0 =	simm.s32 @!p0 $0x0  }
0x12: {  	s1 =	sld [smem:$0x3F9B];
	s0 =	simm.s32 @p0 $0x1  }
0x13: {  	[smem:$0x3FB6] =	sst s0;
	s0 =	simm.s32 @!p1 $0x0  }
0x14: {  	s2 =	sld [smem:$0x3F9A];
	s0 =	simm.s32 @p1 $0x1  }
0x15: {  	[smem:$0x3FB7] =	sst s0;
	s0 =	simm.s32 @!p2 $0x0  }
0x16: {  	s3 =	sld [smem:$0x3FDB];
	s0 =	simm.s32 @p2 $0x1  }
0x17: {  	s4 =	simm.s32 $0x1BF5;
	[smem:$0x3FB9] =	sst s0  }
0x18: {  	s0 =	sld [smem:$0x3F9C];
	_ =	swait.ge [sflag:s4], $0x0  }
0x19: {  	s7 =	sld [smem:$0x3F9D]  }
0x1a: {  	s8 =	sadd.s32 $0xFFFFE003, lr  }
0x1b: {  	s9 =	sadd.s32 $0xFFFFFEF7, lr;
	s5 =	simm.s32 $0xFFFFFFFF;
	p2 =	slt.u32 s8, $0xFFFFF086  }
0x1c: {  	p1 =	slt.u32 s9, $0xF7A;
	s5 =	simm.s32 @!p2 $0x0  }
0x1d: {  	s5 =	simm.s32 @p1 $0x1;
	p0 =	seq.s32 s7, s2  }
0x1e: {  	s7 =	smul.u32 @!p0 $0xF7A, s2;
	p2 =	seq.s32 @!p0 s5, $0x0  }
0x1f: {  	s9 =	smul.u32 $0xF7A, s1;
	s8 =	simm.s32 @!p0 $0x1BF5;
	p2 =	por !p2, p0  }
0x20: {  	[sflag:s8] =	ssyncset.s32 @!p0 $0xFFFFF086;
	s6 =	sadd.s32 @!p0 s3, s7;
	s7 =	simm.s32 @!p0 $0x108  }
0x21: {  	s3 =	sadd.s32 s3, s9;
	s6 =	sadd.s32 @!p0 $0x88, s6;
	s7 =	simm.s32 @p2 $0x1082  }
0x22: {  	[simem:s7], [sflag:s8] =	dma.local @!p0 [hbm:s6], $0xF7A  }
0x23: {  	s9 =	sor.u32 $0xD0000000, s2;
	s6 =	simm.s32 $0x108;
	_ =	swait.ge @!p0 [sflag:s8], $0x0  }
0x24: {  	s3 =	sadd.s32 $0x88, s3;
	s6 =	simm.s32 @!p1 $0x1082;
	[sflag:s4] =	ssyncset.s32 $0xFFFFF086  }
0x25: {  	[simem:s6], [sflag:s4] =	dma.local [hbm:s3], $0xF7A  }
0x26: {  	[smem:$0x3F9D] =	sst s1;
	(tag) =	ssettag s2;
	_ =	strace s9  }
0x27: {  	s1 =	sld [smem:$0x3FAD]  }
0x28: {  	s2 =	sld [smem:$0x3FAE]  }
0x29: {  	s4 =	sld [smem:$0x3FB0]  }
0x2a: {  	p0 =	seq.s32 s5, $0x0;
	s5 =	sld [smem:$0x3FB1]  }
0x2b: {  	s6 =	sld [smem:$0x3FB2]  }
0x2c: {  	s7 =	sld [smem:$0x3FB3]  }
0x2d: {  	s3 =	simm.s32 $0x108;
	s8 =	sld [smem:$0x3FB4]  }
0x2e: {  	s3 =	simm.s32 @!p0 $0x1082;
	s9 =	sld [smem:$0x3FB5]  }
0x2f: {  	lr =	sadd.s32 s0, s3;
	s0 =	sld [smem:$0x3FAC]  }
0x30: {  	s3 =	sld [smem:$0x3FAF]  }
0x31: {  	[smem:$0x3FB8] =	sst s10  }
0x32: {  	s10 =	sld [smem:$0x3FB6];
	_ =	sdelay $0x3  }
0x33: {  	p0 =	seq.s32 s10, $0x1;
	s10 =	sld [smem:$0x3FB8];
	_ =	sdelay $0x3  }
0x34: {  	[smem:$0x3FB8] =	sst s10  }
0x35: {  	s10 =	sld [smem:$0x3FB7];
	_ =	sdelay $0x3  }
0x36: {  	p1 =	seq.s32 s10, $0x1;
	s10 =	sld [smem:$0x3FB8];
	_ =	sdelay $0x3  }
0x37: {  	[smem:$0x3FB8] =	sst s10  }
0x38: {  	s10 =	sld [smem:$0x3FB9]  }
0x39: {  	_ = 	snop;
	(pc) =	sbr.ind lr, $3  }
0x3a: {  	_ = 	snop  }
0x3b: {  	_ = 	snop  }
0x3c: {  	p2 =	seq.s32 s10, $0x1;
	s10 =	sld [smem:$0x3FB8]  }
0x3d: {  	_ =	shalt  }
0x3e: {  	_ =	shalt  }
0x3f: {  	_ =	shalt  }
0x40: {  	_ =	shalt  }
0x41: {  	_ =	shalt  }
0x42: {  	_ =	shalt  }
0x43: {  	_ =	shalt  }
0x44: {  	_ =	shalt  }
0x45: {  	_ =	shalt  }
0x46: {  	_ =	shalt  }
0x47: {  	_ =	shalt  }
0x48: {  	_ =	shalt  }
0x49: {  	_ =	shalt  }
0x4a: {  	_ =	shalt  }
0x4b: {  	_ =	shalt  }
0x4c: {  	_ =	shalt  }
0x4d: {  	_ =	shalt  }
0x4e: {  	_ =	shalt  }
0x4f: {  	_ =	shalt  }
0x50: {  	_ =	shalt  }
0x51: {  	_ =	shalt  }
0x52: {  	_ =	shalt  }
0x53: {  	_ =	shalt  }
0x54: {  	_ =	shalt  }
0x55: {  	_ =	shalt  }
0x56: {  	_ =	shalt  }
0x57: {  	_ =	shalt  }
0x58: {  	_ =	shalt  }
0x59: {  	_ =	shalt  }
0x5a: {  	_ =	shalt  }
0x5b: {  	_ =	shalt  }
0x5c: {  	_ =	shalt  }
0x5d: {  	_ =	shalt  }
0x5e: {  	_ =	shalt  }
0x5f: {  	_ =	shalt  }
0x60: {  	_ =	shalt  }
0x61: {  	_ =	shalt  }
0x62: {  	_ =	shalt  }
0x63: {  	_ =	shalt  }
0x64: {  	_ =	shalt  }
0x65: {  	_ =	shalt  }
0x66: {  	_ =	shalt  }
0x67: {  	_ =	shalt  }
0x68: {  	_ =	shalt  }
0x69: {  	_ =	shalt  }
0x6a: {  	_ =	shalt  }
0x6b: {  	_ =	shalt  }
0x6c: {  	_ =	shalt  }
0x6d: {  	_ =	shalt  }
0x6e: {  	_ =	shalt  }
0x6f: {  	_ =	shalt  }
0x70: {  	_ =	shalt  }
0x71: {  	_ =	shalt  }
0x72: {  	_ =	shalt  }
0x73: {  	_ =	shalt  }
0x74: {  	_ =	shalt  }
0x75: {  	_ =	shalt  }
0x76: {  	_ =	shalt  }
0x77: {  	_ =	shalt  }
0x78: {  	_ =	shalt  }
0x79: {  	_ =	shalt  }
0x7a: {  	_ =	shalt  }
0x7b: {  	_ =	shalt  }
0x7c: {  	_ =	shalt  }
0x7d: {  	_ =	shalt  }
0x7e: {  	_ =	shalt  }
0x7f: {  	_ =	shalt  }
0x80: {  	_ =	shalt  }
0x81: {  	_ =	shalt  }
0x82: {  	_ =	shalt  }
0x83: {  	_ =	shalt  }
0x84: {  	_ =	shalt  }
0x85: {  	_ =	shalt  }
0x86: {  	_ =	shalt  }
0x87: {  	_ =	shalt  }
.Lfunc_end0:
.L_simem_size_0:
called_computation_lowered:
.L_overlay_start_0:
0x88: {  	s2 =	sld [smem:$0x3FD9]  }
0x89: {  	s3 =	sld [smem:$0x3FFE];
	_ =	sdelay $0x1  }
0x8a: {  	s1 =	srdreg.scid  }
0x8b: {  	s0 =	sand.u32 $0x1, s1  }
0x8c: {  	s18 =	sshll.u32 s0, $0xA;
	s2 =	sadd.s32 s3, s2  }
0x8d: {  	s2 =	sadd.s32 s2, s18  }
0x8e: {  	[smem:$0x3FC4] =	sst s2  }
0x8f: {  	_ = 	snop  }
0x90: {  	s2 =	sld [smem:$0x3FC9]  }
0x91: {  	s19 =	sld [smem:$0x3FC8]  }
0x92: {  	s4 =	sld [smem:$0x3FC7]  }
0x93: {  	s5 =	sld [smem:$0x3FC6]  }
0x94: {  	s6 =	sld [smem:$0x3FD0];
	(tm) =	ssettm $0x1  }
0x95: {  	s7 =	sld [smem:$0x3FFB];
	_ =	sdelay $0x3  }
0x96: {  	_ =	strace s7  }
0x97: {  	s7 =	sld [smem:$0x3FFC];
	_ =	sdelay $0x3  }
0x98: {  	_ =	strace s7  }
0x99: {  	s7 =	sld [smem:$0x3FFD];
	_ =	sdelay $0x3  }
0x9a: {  	_ =	strace s7  }
0x9b: {  	_ =	strace $0x8FFFFFFF  }
0x9c: {  	s20 =	sld [smem:$0x3FDB];
	_ =	sdelay $0x1  }
0x9d: {  	s8 =	simm.s32 $_scs_section_size  }
0x9e: {  	s9 =	simm.s32 $_size__tile_overlayer_lowered;
	s10 =	simm.s32 $_tile_overlayer_lowered  }
0x9f: {  	s23 =	simm.s32 $0x1BFF;
	s22 =	sshll.u32 s10, $0x1;
	s7 =	sadd.s32 s8, s20  }
0xa0: {  	s11 =	simm.s32 $0x0;
	s21 =	sshll.u32 s9, $0x1;
	s9 =	sadd.s32 s22, s7  }
0xa1: {  	[timem:s11], [sflag:s23] =	dma.local [hbm:s9], s21  }
0xa2: {  	_ =	swait.ge [sflag:s23], s21  }
0xa3: {  	s8 =	ssub.s32 $0x0, s21;
	[sflag:s23] =	ssyncset.done $0x0  }
0xa4: {  	[sflag:s23] =	ssyncadd.s32 s8;
	_ =	sdelay $0x1  }
0xa5: {  	s24 =	simm.s32 $0x1B8B  }
0xa6: {  	_ =	swait.ge [sflag:s24], $0x1  }
0xa7: {  	[sflag:s24] =	ssyncset.done $0x0  }
0xa8: {  	s25 =	simm.s32 $0x1B8E;
	[sflag:s24] =	ssyncadd.s32 $0xFFFFFFFF  }
0xa9: {  	s26 =	simm.s32 $execute0_lowered;
	[smem:$0x3FD2] =	sst s25  }
0xaa: {  	s8 =	sshll.u32 s26, $0x1;
	_ =	strace $0x80000046;
	[dreg:$0x1] =	wrdreg $0xFFFFFFFF  }
0xab: {  	s28 =	simm.s32 $_size_execute0_lowered;
	s7 =	sadd.s32 s7, s8;
	[dreg:$0x0] =	wrdreg $0x0  }
0xac: {  	s8 =	sshll.u32 s28, $0x1;
	[dreg:$0x2] =	wrdreg s7  }
0xad: {  	[dreg:$0x3] =	wrdreg s8  }
0xae: {  	[dreg:$0x4] =	wrdreg $0xC0  }
0xaf: {  	_ =	task [dreg:s11], $0x5FFFF  }
0xb0: {  	[dreg:$0x1] =	wrdreg $0xFFFFFFFF  }
0xb1: {  	[dreg:$0x0] =	wrdreg $0x60  }
0xb2: {  	[dreg:$0x2] =	wrdreg s2  }
0xb3: {  	[dreg:$0x3] =	wrdreg s19  }
0xb4: {  	[dreg:$0x4] =	wrdreg s4  }
0xb5: {  	[dreg:$0x5] =	wrdreg s5  }
0xb6: {  	[dreg:$0x6] =	wrdreg s6  }
0xb7: {  	[dreg:$0x7] =	wrdreg $0x9  }
0xb8: {  	_ =	task.clear_ibuf [dreg:s11], $0x8FFFF;
	_ =	strace $0x90000046  }
0xb9: {  	s29 =	simm.s32 $0x9;
	_ =	strace $0x80000048  }
0xba: {  	_ =	swait.ge [sflag:s29], $0x1  }
0xbb: {  	[sflag:s29] =	ssyncadd.s32 $0xFFFFFFFF  }
0xbc: {  	_ =	strace $0x90000048  }
0xbd: {  	_ =	sfence  }
0xbe: {  	s30 =	sld [smem:$0x0];
	_ =	sdelay $0x2  }
0xbf: {  	s31 =	sshll.u32 s1, $0xD;
	s1 =	sshrl.u32 s1, $0x2  }
0xc0: {  	s3 =	sand.u32 $0x4000, s31;
	s1 =	sadd.s32 s1, s30  }
0xc1: {  	s0 =	sor.u32 s3, s0;
	s1 =	sshll.u32 s1, $0x11  }
0xc2: {  	s0 =	sor.u32 s1, s0  }
0xc3: {  	s0 =	sadd.s32 $0x8F2B, s0  }
0xc4: {  	[sflag:s0] =	ssyncadd.remote.s32 $0x1  }
0xc5: {  	_ =	sfence.sel $0xFFFF  }
0xc6: {  	[dreg:$0x0] =	wrdreg $0xFFFFFFFF;
	(pc) =	sbr.abs _section_cstart, $3  }
0xc7: {  	[dreg:$0x1] =	wrdreg $0xFFFFFFFF  }
0xc8: {  	_ =	task.clear_ibuf [dreg:s11], $0x2FFFF;
	_ =	strace $0x9FFFFFFF  }
0xc9: {  	(tm) =	ssettm $0x7FFFFFFF  }
tec
execute0_lowered:
.L_overlay_start_1:
0x0: {  	(tag) =	ssettag $0x1  }
0x1: {  	s0 =	srdreg.scid  }
0x2: {  	s7 =	sand.u32 $0x1, s0  }
0x3: {  	s0 =	stileid.u32;
	s2 =	sshll.u32 s7, $0x4  }
0x4: {  	s1 =	rddreg [dreg:$0x0];
	s6 =	sand.u32 $0x7, s0;
	s4 =	sor.u32 s0, s2  }
0x5: {  	s3 =	rddreg [dreg:$0x2];
	p1 =	sne.s32 s6, $0x0;
	p0 =	seq.s32 s4, $0x0  }
0x6: {  	s5 =	rddreg [dreg:$0x3];
	p0 =	por !p1, !p0  }
0x7: {  	s8 =	simm.s32 $0x1;
	s11 =	rddreg [dreg:$0x4];
	p0 =	por !p0, !p0  }
0x8: {  	s10 =	ssub.s32 $0x2, s7;
	s9 =	sshrl.u32 s4, $0x3;
	s8 =	simm.s32 @!p0 $0x0  }
0x9: {  	s2 =	rddreg [dreg:$0x1];
	s28 =	smul.u32 $0xD100, s6;
	s8 =	ssub.s32 s9, s8  }
0xa: {  	s6 =	simm.s32 $0x0;
	s4 =	rddreg [dreg:$0x5];
	s12 =	smul.u32 $0x139800, s8  }
0xb: {  	s13 =	sshrl.u32 s10, $0x1;
	[smem:$0x7FF] =	sst s6;
	s7 =	smul.u32 $0x68800, s8  }
0xc: {  	s13 =	ssub.s32 s10, s13;
	_ =	strace $0x80000047;
	s29 =	sadd.s32 s28, s12  }
0xd: {  	s8 =	simm.s32 $0x1;
	s14 =	sadd.s32 s28, s7;
	s30 =	sadd.s32 $0x68800, s29  }
0xe: {  	s12 =	sshrl.u32 s29, $0x3;
	s16 =	sadd.s32 $0xD1000, s29;
	v0 =	vmov s14;
	s14 =	simm.s32 $0xEB20  }
0xf: {  	s15 =	sshrl.u32 s30, $0x3;
	s9 =	sadd.s32 s11, s12;
	s31 =	sshrl.u32 s16, $0x3  }
0x10: {  	s12 =	smax.u32 s13, $0x1;
	s13 =	simm.s32 $0xD100;
	s16 =	simm.s32 $0x0  }
0x11: {  	v1 =	vimm.f32 $0.0e+00;
	s10 =	sadd.s32 s11, s15;
	s11 =	sadd.s32 s11, s31;
	s15 =	simm.s32 $0x2  }
.LBB2_1:
0x12: {  	s17 =	simm.s32 $0x0  }
.LBB2_2:
0x13: {  	p0 =	sne.s32 s17, $0x343C0  }
.Ltmp0:
0x14: {  	_ = 	snop;
	(pc) =	sbr.rel @p0 .LBB2_2-.Ltmp0, $3  }
0x15: {  	_ =	sdelay $0x1  }
0x16: {  	s18 =	sshra.s32 s17, $0x2  }
0x17: {  	s17 =	sadd.s32 $0x40, s17;
	[tilespmem:s18+$0x0] =	vst v1  }
0x18: {  	s17 =	simm.s32 $0x0  }
.LBB2_4:
0x19: {  	s18 =	smul.u32 $0x1A20, s17;
	_ =	sdelay $0x1  }
0x1a: {  	s18 =	sadd.s32 s7, s18  }
0x1b: {  	s18 =	sshrl.u32 s18, $0x3  }
0x1c: {  	s19 =	sadd.s32 s1, s18  }
0x1d: {  	[tilespmem:s13], [sflag:$0x1] =	stream.linear.gather [hbm4b:s19+s6], $0x1A20, $0x38;
	[tilespmem:$0x10540] =	vst v63  }
0x1e: {  	s18 =	sadd.s32 s2, s18  }
0x1f: {  	[tilespmem:s14], [sflag:$0x2] =	stream.linear.gather [hbm4b:s18+s6], $0x1A20, $0x38;
	[tilespmem:$0x10540] =	vst v63  }
0x20: {  	_ =	swait.ge [sflag:s8], $0x1A20  }
0x21: {  	[sflag:s8] =	ssyncset.done $0x0  }
0x22: {  	[sflag:s8] =	ssyncadd.s32 $0xFFFFE5E0  }
0x23: {  	_ =	swait.ge [sflag:s15], $0x1A20  }
0x24: {  	s20 =	simm.s32 $0xEB70;
	[sflag:s15] =	ssyncset.done $0x0  }
0x25: {  	s19 =	simm.s32 $0xD150;
	s18 =	simm.s32 $0xFFFFFFF5;
	[sflag:s15] =	ssyncadd.s32 $0xFFFFE5E0  }
.LBB2_5:
0x26: {  	v2 =	vld [tilespmem:s19+$0xFFFFFFB0];
	_ =	sdelay $0x4  }
0x27: {  	v2 =	vsub.s32 v2, v0  }
0x28: {  	vm0 =	vlt.u32 v2, $0xD100  }
0x29: {  	(xrf1) =	vunique.msk.u32 vm0, v2;
	_ =	sdelay $0xd  }
0x2a: {  	_, v3, vm1 =	vpop (xrf1)  }
0x2b: {  	vm0 =	vmand vm0, vm1  }
0x2c: {  	v3 =	vld [tilespmem:s20+$0xFFFFFFB0];
	v2 =	vnsel vm0, $0x0, v2;
	_ =	sdelay $0x4  }
0x2d: {  	[tilespmem:v2+s6+$0x0] =	vst.idx.msk vm0, v3  }
0x2e: {  	v2 =	vld [tilespmem:s19+$0xFFFFFFC0];
	_ =	sdelay $0x4  }
0x2f: {  	v2 =	vsub.s32 v2, v0  }
0x30: {  	vm8 =	vlt.u32 v2, $0xD100  }
0x31: {  	(xrf1) =	vunique.msk.u32 vm8, v2;
	_ =	sdelay $0xd  }
0x32: {  	_, v3, vm9 =	vpop (xrf1)  }
0x33: {  	vm0 =	vmand vm8, vm9  }
0x34: {  	v3 =	vld [tilespmem:s20+$0xFFFFFFC0];
	v2 =	vnsel vm0, $0x0, v2;
	_ =	sdelay $0x4  }
0x35: {  	[tilespmem:v2+s6+$0x0] =	vst.idx.msk vm0, v3  }
0x36: {  	v2 =	vld [tilespmem:s19+$0xFFFFFFD0];
	_ =	sdelay $0x4  }
0x37: {  	v2 =	vsub.s32 v2, v0  }
0x38: {  	vm10 =	vlt.u32 v2, $0xD100  }
0x39: {  	(xrf1) =	vunique.msk.u32 vm10, v2;
	_ =	sdelay $0xd  }
0x3a: {  	_, v3, vm11 =	vpop (xrf1)  }
0x3b: {  	vm0 =	vmand vm10, vm11  }
0x3c: {  	v3 =	vld [tilespmem:s20+$0xFFFFFFD0];
	v2 =	vnsel vm0, $0x0, v2;
	_ =	sdelay $0x4  }
0x3d: {  	[tilespmem:v2+s6+$0x0] =	vst.idx.msk vm0, v3  }
0x3e: {  	v2 =	vld [tilespmem:s19+$0xFFFFFFE0];
	_ =	sdelay $0x4  }
0x3f: {  	v2 =	vsub.s32 v2, v0  }
0x40: {  	vm12 =	vlt.u32 v2, $0xD100  }
0x41: {  	(xrf1) =	vunique.msk.u32 vm12, v2;
	_ =	sdelay $0xd  }
0x42: {  	_, v3, vm13 =	vpop (xrf1)  }
0x43: {  	vm0 =	vmand vm12, vm13  }
0x44: {  	v3 =	vld [tilespmem:s20+$0xFFFFFFE0];
	v2 =	vnsel vm0, $0x0, v2;
	_ =	sdelay $0x4  }
0x45: {  	[tilespmem:v2+s6+$0x0] =	vst.idx.msk vm0, v3  }
0x46: {  	v2 =	vld [tilespmem:s19+$0xFFFFFFF0];
	_ =	sdelay $0x4  }
0x47: {  	v2 =	vsub.s32 v2, v0  }
0x48: {  	vm14 =	vlt.u32 v2, $0xD100  }
0x49: {  	(xrf1) =	vunique.msk.u32 vm14, v2;
	_ =	sdelay $0xd  }
0x4a: {  	_, v3, vm15 =	vpop (xrf1)  }
0x4b: {  	vm0 =	vmand vm14, vm15  }
0x4c: {  	v3 =	vld [tilespmem:s20+$0xFFFFFFF0];
	v2 =	vnsel vm0, $0x0, v2;
	_ =	sdelay $0x4  }
0x4d: {  	[tilespmem:v2+s6+$0x0] =	vst.idx.msk vm0, v3  }
0x4e: {  	v2 =	vld [tilespmem:s19+$0x0];
	_ =	sdelay $0x4  }
0x4f: {  	v2 =	vsub.s32 v2, v0  }
0x50: {  	vm4 =	vlt.u32 v2, $0xD100  }
0x51: {  	(xrf1) =	vunique.msk.u32 vm4, v2;
	_ =	sdelay $0xd  }
0x52: {  	_, v3, vm5 =	vpop (xrf1)  }
0x53: {  	vm0 =	vmand vm4, vm5  }
0x54: {  	v3 =	vld [tilespmem:s20+$0x0];
	v2 =	vnsel vm0, $0x0, v2;
	_ =	sdelay $0x4  }
0x55: {  	[tilespmem:v2+s6+$0x0] =	vst.idx.msk vm0, v3  }
0x56: {  	v2 =	vld [tilespmem:s19+$0x10];
	_ =	sdelay $0x4  }
0x57: {  	v2 =	vsub.s32 v2, v0  }
0x58: {  	vm6 =	vlt.u32 v2, $0xD100  }
0x59: {  	(xrf1) =	vunique.msk.u32 vm6, v2;
	_ =	sdelay $0xd  }
0x5a: {  	_, v3, vm7 =	vpop (xrf1)  }
0x5b: {  	vm0 =	vmand vm6, vm7  }
0x5c: {  	v3 =	vld [tilespmem:s20+$0x10];
	v2 =	vnsel vm0, $0x0, v2;
	_ =	sdelay $0x4  }
0x5d: {  	[tilespmem:v2+s6+$0x0] =	vst.idx.msk vm0, v3  }
0x5e: {  	v2 =	vld [tilespmem:s19+$0x20];
	_ =	sdelay $0x4  }
0x5f: {  	v2 =	vsub.s32 v2, v0  }
0x60: {  	vm8 =	vlt.u32 v2, $0xD100  }
0x61: {  	(xrf1) =	vunique.msk.u32 vm8, v2;
	_ =	sdelay $0xd  }
0x62: {  	_, v3, vm9 =	vpop (xrf1)  }
0x63: {  	vm0 =	vmand vm8, vm9  }
0x64: {  	v3 =	vld [tilespmem:s20+$0x20];
	v2 =	vnsel vm0, $0x0, v2;
	_ =	sdelay $0x4  }
0x65: {  	[tilespmem:v2+s6+$0x0] =	vst.idx.msk vm0, v3  }
0x66: {  	v2 =	vld [tilespmem:s19+$0x30];
	_ =	sdelay $0x4  }
0x67: {  	v2 =	vsub.s32 v2, v0  }
0x68: {  	vm10 =	vlt.u32 v2, $0xD100  }
0x69: {  	(xrf1) =	vunique.msk.u32 vm10, v2;
	_ =	sdelay $0xd  }
0x6a: {  	_, v3, vm11 =	vpop (xrf1)  }
0x6b: {  	vm0 =	vmand vm10, vm11  }
0x6c: {  	v3 =	vld [tilespmem:s20+$0x30];
	v2 =	vnsel vm0, $0x0, v2;
	_ =	sdelay $0x4  }
0x6d: {  	[tilespmem:v2+s6+$0x0] =	vst.idx.msk vm0, v3  }
0x6e: {  	v2 =	vld [tilespmem:s19+$0x40];
	_ =	sdelay $0x4  }
0x6f: {  	v2 =	vsub.s32 v2, v0  }
0x70: {  	vm12 =	vlt.u32 v2, $0xD100  }
0x71: {  	(xrf1) =	vunique.msk.u32 vm12, v2;
	_ =	sdelay $0xd  }
0x72: {  	_, v3, vm13 =	vpop (xrf1)  }
0x73: {  	vm0 =	vmand vm12, vm13  }
0x74: {  	v3 =	vld [tilespmem:s20+$0x40];
	v2 =	vnsel vm0, $0x0, v2;
	_ =	sdelay $0x4  }
0x75: {  	[tilespmem:v2+s6+$0x0] =	vst.idx.msk vm0, v3  }
0x76: {  	v2 =	vld [tilespmem:s19+$0x50];
	_ =	sdelay $0x4  }
0x77: {  	v2 =	vsub.s32 v2, v0  }
0x78: {  	vm14 =	vlt.u32 v2, $0xD100  }
0x79: {  	(xrf1) =	vunique.msk.u32 vm14, v2;
	_ =	sdelay $0xd  }
0x7a: {  	_, v3, vm15 =	vpop (xrf1)  }
0x7b: {  	s18 =	sadd.s32 $0xB, s18;
	vm0 =	vmand vm14, vm15  }
0x7c: {  	p0 =	slt.u32 s18, $0x197;
	v3 =	vld [tilespmem:s20+$0x50];
	v2 =	vnsel vm0, $0x0, v2  }
.Ltmp1:
0x7d: {  	_ = 	snop;
	(pc) =	sbr.rel @p0 .LBB2_5-.Ltmp1, $2  }
0x7e: {  	_ =	sdelay $0x2  }
0x7f: {  	s19 =	sadd.s32 $0xB0, s19;
	s20 =	sadd.s32 $0xB0, s20;
	[tilespmem:v2+s6+$0x0] =	vst.idx.msk vm0, v3  }
0x80: {  	s17 =	sadd.s32 $0x1, s17  }
0x81: {  	p0 =	sne.s32 s17, $0x40  }
.Ltmp2:
0x82: {  	_ = 	snop;
	(pc) =	sbr.rel @p0 .LBB2_4-.Ltmp2, $1  }
0x83: {  	_ =	sdelay $0x3  }
0x84: {  	s17 =	simm.s32 $0x0  }
0x85: {  	[hbm4b:s9+s17] =	stream.linear.scatter [tilespmem:s17], [sflag:$0x1], $0xD100, $0x38;
	[tilespmem:$0x10540] =	vst v63  }
0x86: {  	_ =	swait.ge [sflag:s8], $0xD100  }
0x87: {  	[sflag:s8] =	ssyncset.done $0x0  }
0x88: {  	s18 =	simm.s32 $0x40;
	s19 =	simm.s32 $0x0;
	[sflag:s8] =	ssyncadd.s32 $0xFFFF2F00  }
.LBB2_8:
0x89: {  	p0 =	sne.s32 s18, $0x343C0;
	[tilespmem:s19+$0x0] =	vst v1;
	s19 =	smov.u32 s18;
	s18 =	sadd.s32 $0x40, s18  }
.Ltmp3:
0x8a: {  	(pc) =	sbr.rel @p0 .LBB2_8-.Ltmp3, $2  }
0x8b: {  	_ =	sdelay $0x2  }
0x8c: {  	s19 =	sshra.s32 s19, $0x2  }
0x8d: {  	[tilespmem:s19+$0x0] =	vst v1  }
.LBB2_10:
0x8e: {  	s18 =	smul.u32 $0x1A20, s17;
	_ =	sdelay $0x1  }
0x8f: {  	s18 =	sadd.s32 s7, s18  }
0x90: {  	s18 =	sshrl.u32 s18, $0x3  }
0x91: {  	s19 =	sadd.s32 s1, s18  }
0x92: {  	[tilespmem:s13], [sflag:$0x1] =	stream.linear.gather [hbm4b:s19+s6], $0x1A20, $0x38;
	[tilespmem:$0x10540] =	vst v63  }
0x93: {  	s18 =	sadd.s32 s3, s18  }
0x94: {  	[tilespmem:s14], [sflag:$0x2] =	stream.linear.gather [hbm4b:s18+s6], $0x1A20, $0x38;
	[tilespmem:$0x10540] =	vst v63  }
0x95: {  	_ =	swait.ge [sflag:s8], $0x1A20  }
0x96: {  	[sflag:s8] =	ssyncset.done $0x0  }
0x97: {  	[sflag:s8] =	ssyncadd.s32 $0xFFFFE5E0  }
0x98: {  	_ =	swait.ge [sflag:s15], $0x1A20  }
0x99: {  	s20 =	simm.s32 $0xEB70;
	[sflag:s15] =	ssyncset.done $0x0  }
0x9a: {  	s19 =	simm.s32 $0xD150;
	s18 =	simm.s32 $0xFFFFFFF5;
	[sflag:s15] =	ssyncadd.s32 $0xFFFFE5E0  }
.LBB2_11:
0x9b: {  	v2 =	vld [tilespmem:s19+$0xFFFFFFB0];
	_ =	sdelay $0x4  }
0x9c: {  	v2 =	vsub.s32 v2, v0  }
0x9d: {  	vm0 =	vlt.u32 v2, $0xD100  }
0x9e: {  	(xrf1) =	vunique.msk.u32 vm0, v2;
	_ =	sdelay $0xd  }
0x9f: {  	_, v3, vm1 =	vpop (xrf1)  }
0xa0: {  	vm0 =	vmand vm0, vm1  }
0xa1: {  	v3 =	vld [tilespmem:s20+$0xFFFFFFB0];
	v2 =	vnsel vm0, $0x0, v2;
	_ =	sdelay $0x4  }
0xa2: {  	[tilespmem:v2+s6+$0x0] =	vst.idx.msk vm0, v3  }
0xa3: {  	v2 =	vld [tilespmem:s19+$0xFFFFFFC0];
	_ =	sdelay $0x4  }
0xa4: {  	v2 =	vsub.s32 v2, v0  }
0xa5: {  	vm8 =	vlt.u32 v2, $0xD100  }
0xa6: {  	(xrf1) =	vunique.msk.u32 vm8, v2;
	_ =	sdelay $0xd  }
0xa7: {  	_, v3, vm9 =	vpop (xrf1)  }
0xa8: {  	vm0 =	vmand vm8, vm9  }
0xa9: {  	v3 =	vld [tilespmem:s20+$0xFFFFFFC0];
	v2 =	vnsel vm0, $0x0, v2;
	_ =	sdelay $0x4  }
0xaa: {  	[tilespmem:v2+s6+$0x0] =	vst.idx.msk vm0, v3  }
0xab: {  	v2 =	vld [tilespmem:s19+$0xFFFFFFD0];
	_ =	sdelay $0x4  }
0xac: {  	v2 =	vsub.s32 v2, v0  }
0xad: {  	vm10 =	vlt.u32 v2, $0xD100  }
0xae: {  	(xrf1) =	vunique.msk.u32 vm10, v2;
	_ =	sdelay $0xd  }
0xaf: {  	_, v3, vm11 =	vpop (xrf1)  }
0xb0: {  	vm0 =	vmand vm10, vm11  }
0xb1: {  	v3 =	vld [tilespmem:s20+$0xFFFFFFD0];
	v2 =	vnsel vm0, $0x0, v2;
	_ =	sdelay $0x4  }
0xb2: {  	[tilespmem:v2+s6+$0x0] =	vst.idx.msk vm0, v3  }
0xb3: {  	v2 =	vld [tilespmem:s19+$0xFFFFFFE0];
	_ =	sdelay $0x4  }
0xb4: {  	v2 =	vsub.s32 v2, v0  }
0xb5: {  	vm12 =	vlt.u32 v2, $0xD100  }
0xb6: {  	(xrf1) =	vunique.msk.u32 vm12, v2;
	_ =	sdelay $0xd  }
0xb7: {  	_, v3, vm13 =	vpop (xrf1)  }
0xb8: {  	vm0 =	vmand vm12, vm13  }
0xb9: {  	v3 =	vld [tilespmem:s20+$0xFFFFFFE0];
	v2 =	vnsel vm0, $0x0, v2;
	_ =	sdelay $0x4  }
0xba: {  	[tilespmem:v2+s6+$0x0] =	vst.idx.msk vm0, v3  }
0xbb: {  	v2 =	vld [tilespmem:s19+$0xFFFFFFF0];
	_ =	sdelay $0x4  }
0xbc: {  	v2 =	vsub.s32 v2, v0  }
0xbd: {  	vm14 =	vlt.u32 v2, $0xD100  }
0xbe: {  	(xrf1) =	vunique.msk.u32 vm14, v2;
	_ =	sdelay $0xd  }
0xbf: {  	_, v3, vm15 =	vpop (xrf1)  }
0xc0: {  	vm0 =	vmand vm14, vm15  }
0xc1: {  	v3 =	vld [tilespmem:s20+$0xFFFFFFF0];
	v2 =	vnsel vm0, $0x0, v2;
	_ =	sdelay $0x4  }
0xc2: {  	[tilespmem:v2+s6+$0x0] =	vst.idx.msk vm0, v3  }
0xc3: {  	v2 =	vld [tilespmem:s19+$0x0];
	_ =	sdelay $0x4  }
0xc4: {  	v2 =	vsub.s32 v2, v0  }
0xc5: {  	vm4 =	vlt.u32 v2, $0xD100  }
0xc6: {  	(xrf1) =	vunique.msk.u32 vm4, v2;
	_ =	sdelay $0xd  }
0xc7: {  	_, v3, vm5 =	vpop (xrf1)  }
0xc8: {  	vm0 =	vmand vm4, vm5  }
0xc9: {  	v3 =	vld [tilespmem:s20+$0x0];
	v2 =	vnsel vm0, $0x0, v2;
	_ =	sdelay $0x4  }
0xca: {  	[tilespmem:v2+s6+$0x0] =	vst.idx.msk vm0, v3  }
0xcb: {  	v2 =	vld [tilespmem:s19+$0x10];
	_ =	sdelay $0x4  }
0xcc: {  	v2 =	vsub.s32 v2, v0  }
0xcd: {  	vm6 =	vlt.u32 v2, $0xD100  }
0xce: {  	(xrf1) =	vunique.msk.u32 vm6, v2;
	_ =	sdelay $0xd  }
0xcf: {  	_, v3, vm7 =	vpop (xrf1)  }
0xd0: {  	vm0 =	vmand vm6, vm7  }
0xd1: {  	v3 =	vld [tilespmem:s20+$0x10];
	v2 =	vnsel vm0, $0x0, v2;
	_ =	sdelay $0x4  }
0xd2: {  	[tilespmem:v2+s6+$0x0] =	vst.idx.msk vm0, v3  }
0xd3: {  	v2 =	vld [tilespmem:s19+$0x20];
	_ =	sdelay $0x4  }
0xd4: {  	v2 =	vsub.s32 v2, v0  }
0xd5: {  	vm8 =	vlt.u32 v2, $0xD100  }
0xd6: {  	(xrf1) =	vunique.msk.u32 vm8, v2;
	_ =	sdelay $0xd  }
0xd7: {  	_, v3, vm9 =	vpop (xrf1)  }
0xd8: {  	vm0 =	vmand vm8, vm9  }
0xd9: {  	v3 =	vld [tilespmem:s20+$0x20];
	v2 =	vnsel vm0, $0x0, v2;
	_ =	sdelay $0x4  }
0xda: {  	[tilespmem:v2+s6+$0x0] =	vst.idx.msk vm0, v3  }
0xdb: {  	v2 =	vld [tilespmem:s19+$0x30];
	_ =	sdelay $0x4  }
0xdc: {  	v2 =	vsub.s32 v2, v0  }
0xdd: {  	vm10 =	vlt.u32 v2, $0xD100  }
0xde: {  	(xrf1) =	vunique.msk.u32 vm10, v2;
	_ =	sdelay $0xd  }
0xdf: {  	_, v3, vm11 =	vpop (xrf1)  }
0xe0: {  	vm0 =	vmand vm10, vm11  }
0xe1: {  	v3 =	vld [tilespmem:s20+$0x30];
	v2 =	vnsel vm0, $0x0, v2;
	_ =	sdelay $0x4  }
0xe2: {  	[tilespmem:v2+s6+$0x0] =	vst.idx.msk vm0, v3  }
0xe3: {  	v2 =	vld [tilespmem:s19+$0x40];
	_ =	sdelay $0x4  }
0xe4: {  	v2 =	vsub.s32 v2, v0  }
0xe5: {  	vm12 =	vlt.u32 v2, $0xD100  }
0xe6: {  	(xrf1) =	vunique.msk.u32 vm12, v2;
	_ =	sdelay $0xd  }
0xe7: {  	_, v3, vm13 =	vpop (xrf1)  }
0xe8: {  	vm0 =	vmand vm12, vm13  }
0xe9: {  	v3 =	vld [tilespmem:s20+$0x40];
	v2 =	vnsel vm0, $0x0, v2;
	_ =	sdelay $0x4  }
0xea: {  	[tilespmem:v2+s6+$0x0] =	vst.idx.msk vm0, v3  }
0xeb: {  	v2 =	vld [tilespmem:s19+$0x50];
	_ =	sdelay $0x4  }
0xec: {  	v2 =	vsub.s32 v2, v0  }
0xed: {  	vm14 =	vlt.u32 v2, $0xD100  }
0xee: {  	(xrf1) =	vunique.msk.u32 vm14, v2;
	_ =	sdelay $0xd  }
0xef: {  	_, v3, vm15 =	vpop (xrf1)  }
0xf0: {  	s18 =	sadd.s32 $0xB, s18;
	vm0 =	vmand vm14, vm15  }
0xf1: {  	p0 =	slt.u32 s18, $0x197;
	v3 =	vld [tilespmem:s20+$0x50];
	v2 =	vnsel vm0, $0x0, v2  }
.Ltmp4:
0xf2: {  	_ = 	snop;
	(pc) =	sbr.rel @p0 .LBB2_11-.Ltmp4, $2  }
0xf3: {  	_ =	sdelay $0x2  }
0xf4: {  	s19 =	sadd.s32 $0xB0, s19;
	s20 =	sadd.s32 $0xB0, s20;
	[tilespmem:v2+s6+$0x0] =	vst.idx.msk vm0, v3  }
0xf5: {  	s17 =	sadd.s32 $0x1, s17  }
0xf6: {  	p0 =	sne.s32 s17, $0x40  }
.Ltmp5:
0xf7: {  	_ = 	snop;
	(pc) =	sbr.rel @p0 .LBB2_10-.Ltmp5, $1  }
0xf8: {  	_ =	sdelay $0x3  }
0xf9: {  	s17 =	simm.s32 $0x0  }
0xfa: {  	[hbm4b:s10+s17] =	stream.linear.scatter [tilespmem:s17], [sflag:$0x1], $0xD100, $0x38;
	[tilespmem:$0x10540] =	vst v63  }
0xfb: {  	_ =	swait.ge [sflag:s8], $0xD100  }
0xfc: {  	[sflag:s8] =	ssyncset.done $0x0  }
0xfd: {  	s18 =	simm.s32 $0x40;
	s19 =	simm.s32 $0x0;
	[sflag:s8] =	ssyncadd.s32 $0xFFFF2F00  }
.LBB2_14:
0xfe: {  	p0 =	sne.s32 s18, $0x343C0;
	[tilespmem:s19+$0x0] =	vst v1;
	s19 =	smov.u32 s18;
	s18 =	sadd.s32 $0x40, s18  }
.Ltmp6:
0xff: {  	(pc) =	sbr.rel @p0 .LBB2_14-.Ltmp6, $2  }
0x100: {  	_ =	sdelay $0x2  }
0x101: {  	s19 =	sshra.s32 s19, $0x2  }
0x102: {  	[tilespmem:s19+$0x0] =	vst v1  }
.LBB2_16:
0x103: {  	s18 =	smul.u32 $0x1A20, s17;
	_ =	sdelay $0x1  }
0x104: {  	s18 =	sadd.s32 s7, s18  }
0x105: {  	s18 =	sshrl.u32 s18, $0x3  }
0x106: {  	s19 =	sadd.s32 s1, s18  }
0x107: {  	[tilespmem:s13], [sflag:$0x1] =	stream.linear.gather [hbm4b:s19+s6], $0x1A20, $0x38;
	[tilespmem:$0x10540] =	vst v63  }
0x108: {  	s18 =	sadd.s32 s5, s18  }
0x109: {  	[tilespmem:s14], [sflag:$0x2] =	stream.linear.gather [hbm4b:s18+s6], $0x1A20, $0x38;
	[tilespmem:$0x10540] =	vst v63  }
0x10a: {  	_ =	swait.ge [sflag:s8], $0x1A20  }
0x10b: {  	[sflag:s8] =	ssyncset.done $0x0  }
0x10c: {  	[sflag:s8] =	ssyncadd.s32 $0xFFFFE5E0  }
0x10d: {  	_ =	swait.ge [sflag:s15], $0x1A20  }
0x10e: {  	s20 =	simm.s32 $0xEB70;
	[sflag:s15] =	ssyncset.done $0x0  }
0x10f: {  	s19 =	simm.s32 $0xD150;
	s18 =	simm.s32 $0xFFFFFFF5;
	[sflag:s15] =	ssyncadd.s32 $0xFFFFE5E0  }
.LBB2_17:
0x110: {  	v2 =	vld [tilespmem:s19+$0xFFFFFFB0];
	_ =	sdelay $0x4  }
0x111: {  	v2 =	vsub.s32 v2, v0  }
0x112: {  	vm0 =	vlt.u32 v2, $0xD100  }
0x113: {  	(xrf1) =	vunique.msk.u32 vm0, v2;
	_ =	sdelay $0xd  }
0x114: {  	_, v3, vm1 =	vpop (xrf1)  }
0x115: {  	vm0 =	vmand vm0, vm1  }
0x116: {  	v3 =	vld [tilespmem:s20+$0xFFFFFFB0];
	v2 =	vnsel vm0, $0x0, v2;
	_ =	sdelay $0x4  }
0x117: {  	[tilespmem:v2+s6+$0x0] =	vst.idx.msk vm0, v3  }
0x118: {  	v2 =	vld [tilespmem:s19+$0xFFFFFFC0];
	_ =	sdelay $0x4  }
0x119: {  	v2 =	vsub.s32 v2, v0  }
0x11a: {  	vm8 =	vlt.u32 v2, $0xD100  }
0x11b: {  	(xrf1) =	vunique.msk.u32 vm8, v2;
	_ =	sdelay $0xd  }
0x11c: {  	_, v3, vm9 =	vpop (xrf1)  }
0x11d: {  	vm0 =	vmand vm8, vm9  }
0x11e: {  	v3 =	vld [tilespmem:s20+$0xFFFFFFC0];
	v2 =	vnsel vm0, $0x0, v2;
	_ =	sdelay $0x4  }
0x11f: {  	[tilespmem:v2+s6+$0x0] =	vst.idx.msk vm0, v3  }
0x120: {  	v2 =	vld [tilespmem:s19+$0xFFFFFFD0];
	_ =	sdelay $0x4  }
0x121: {  	v2 =	vsub.s32 v2, v0  }
0x122: {  	vm10 =	vlt.u32 v2, $0xD100  }
0x123: {  	(xrf1) =	vunique.msk.u32 vm10, v2;
	_ =	sdelay $0xd  }
0x124: {  	_, v3, vm11 =	vpop (xrf1)  }
0x125: {  	vm0 =	vmand vm10, vm11  }
0x126: {  	v3 =	vld [tilespmem:s20+$0xFFFFFFD0];
	v2 =	vnsel vm0, $0x0, v2;
	_ =	sdelay $0x4  }
0x127: {  	[tilespmem:v2+s6+$0x0] =	vst.idx.msk vm0, v3  }
0x128: {  	v2 =	vld [tilespmem:s19+$0xFFFFFFE0];
	_ =	sdelay $0x4  }
0x129: {  	v2 =	vsub.s32 v2, v0  }
0x12a: {  	vm12 =	vlt.u32 v2, $0xD100  }
0x12b: {  	(xrf1) =	vunique.msk.u32 vm12, v2;
	_ =	sdelay $0xd  }
0x12c: {  	_, v3, vm13 =	vpop (xrf1)  }
0x12d: {  	vm0 =	vmand vm12, vm13  }
0x12e: {  	v3 =	vld [tilespmem:s20+$0xFFFFFFE0];
	v2 =	vnsel vm0, $0x0, v2;
	_ =	sdelay $0x4  }
0x12f: {  	[tilespmem:v2+s6+$0x0] =	vst.idx.msk vm0, v3  }
0x130: {  	v2 =	vld [tilespmem:s19+$0xFFFFFFF0];
	_ =	sdelay $0x4  }
0x131: {  	v2 =	vsub.s32 v2, v0  }
0x132: {  	vm14 =	vlt.u32 v2, $0xD100  }
0x133: {  	(xrf1) =	vunique.msk.u32 vm14, v2;
	_ =	sdelay $0xd  }
0x134: {  	_, v3, vm15 =	vpop (xrf1)  }
0x135: {  	vm0 =	vmand vm14, vm15  }
0x136: {  	v3 =	vld [tilespmem:s20+$0xFFFFFFF0];
	v2 =	vnsel vm0, $0x0, v2;
	_ =	sdelay $0x4  }
0x137: {  	[tilespmem:v2+s6+$0x0] =	vst.idx.msk vm0, v3  }
0x138: {  	v2 =	vld [tilespmem:s19+$0x0];
	_ =	sdelay $0x4  }
0x139: {  	v2 =	vsub.s32 v2, v0  }
0x13a: {  	vm4 =	vlt.u32 v2, $0xD100  }
0x13b: {  	(xrf1) =	vunique.msk.u32 vm4, v2;
	_ =	sdelay $0xd  }
0x13c: {  	_, v3, vm5 =	vpop (xrf1)  }
0x13d: {  	vm0 =	vmand vm4, vm5  }
0x13e: {  	v3 =	vld [tilespmem:s20+$0x0];
	v2 =	vnsel vm0, $0x0, v2;
	_ =	sdelay $0x4  }
0x13f: {  	[tilespmem:v2+s6+$0x0] =	vst.idx.msk vm0, v3  }
0x140: {  	v2 =	vld [tilespmem:s19+$0x10];
	_ =	sdelay $0x4  }
0x141: {  	v2 =	vsub.s32 v2, v0  }
0x142: {  	vm6 =	vlt.u32 v2, $0xD100  }
0x143: {  	(xrf1) =	vunique.msk.u32 vm6, v2;
	_ =	sdelay $0xd  }
0x144: {  	_, v3, vm7 =	vpop (xrf1)  }
0x145: {  	vm0 =	vmand vm6, vm7  }
0x146: {  	v3 =	vld [tilespmem:s20+$0x10];
	v2 =	vnsel vm0, $0x0, v2;
	_ =	sdelay $0x4  }
0x147: {  	[tilespmem:v2+s6+$0x0] =	vst.idx.msk vm0, v3  }
0x148: {  	v2 =	vld [tilespmem:s19+$0x20];
	_ =	sdelay $0x4  }
0x149: {  	v2 =	vsub.s32 v2, v0  }
0x14a: {  	vm8 =	vlt.u32 v2, $0xD100  }
0x14b: {  	(xrf1) =	vunique.msk.u32 vm8, v2;
	_ =	sdelay $0xd  }
0x14c: {  	_, v3, vm9 =	vpop (xrf1)  }
0x14d: {  	vm0 =	vmand vm8, vm9  }
0x14e: {  	v3 =	vld [tilespmem:s20+$0x20];
	v2 =	vnsel vm0, $0x0, v2;
	_ =	sdelay $0x4  }
0x14f: {  	[tilespmem:v2+s6+$0x0] =	vst.idx.msk vm0, v3  }
0x150: {  	v2 =	vld [tilespmem:s19+$0x30];
	_ =	sdelay $0x4  }
0x151: {  	v2 =	vsub.s32 v2, v0  }
0x152: {  	vm10 =	vlt.u32 v2, $0xD100  }
0x153: {  	(xrf1) =	vunique.msk.u32 vm10, v2;
	_ =	sdelay $0xd  }
0x154: {  	_, v3, vm11 =	vpop (xrf1)  }
0x155: {  	vm0 =	vmand vm10, vm11  }
0x156: {  	v3 =	vld [tilespmem:s20+$0x30];
	v2 =	vnsel vm0, $0x0, v2;
	_ =	sdelay $0x4  }
0x157: {  	[tilespmem:v2+s6+$0x0] =	vst.idx.msk vm0, v3  }
0x158: {  	v2 =	vld [tilespmem:s19+$0x40];
	_ =	sdelay $0x4  }
0x159: {  	v2 =	vsub.s32 v2, v0  }
0x15a: {  	vm12 =	vlt.u32 v2, $0xD100  }
0x15b: {  	(xrf1) =	vunique.msk.u32 vm12, v2;
	_ =	sdelay $0xd  }
0x15c: {  	_, v3, vm13 =	vpop (xrf1)  }
0x15d: {  	vm0 =	vmand vm12, vm13  }
0x15e: {  	v3 =	vld [tilespmem:s20+$0x40];
	v2 =	vnsel vm0, $0x0, v2;
	_ =	sdelay $0x4  }
0x15f: {  	[tilespmem:v2+s6+$0x0] =	vst.idx.msk vm0, v3  }
0x160: {  	v2 =	vld [tilespmem:s19+$0x50];
	_ =	sdelay $0x4  }
0x161: {  	v2 =	vsub.s32 v2, v0  }
0x162: {  	vm14 =	vlt.u32 v2, $0xD100  }
0x163: {  	(xrf1) =	vunique.msk.u32 vm14, v2;
	_ =	sdelay $0xd  }
0x164: {  	_, v3, vm15 =	vpop (xrf1)  }
0x165: {  	s18 =	sadd.s32 $0xB, s18;
	vm0 =	vmand vm14, vm15  }
0x166: {  	p0 =	slt.u32 s18, $0x197;
	v3 =	vld [tilespmem:s20+$0x50];
	v2 =	vnsel vm0, $0x0, v2  }
.Ltmp7:
0x167: {  	_ = 	snop;
	(pc) =	sbr.rel @p0 .LBB2_17-.Ltmp7, $2  }
0x168: {  	_ =	sdelay $0x2  }
0x169: {  	s19 =	sadd.s32 $0xB0, s19;
	s20 =	sadd.s32 $0xB0, s20;
	[tilespmem:v2+s6+$0x0] =	vst.idx.msk vm0, v3  }
0x16a: {  	s17 =	sadd.s32 $0x1, s17  }
0x16b: {  	p0 =	sne.s32 s17, $0x40  }
.Ltmp8:
0x16c: {  	_ = 	snop;
	(pc) =	sbr.rel @p0 .LBB2_16-.Ltmp8, $1  }
0x16d: {  	_ =	sdelay $0x3  }
0x16e: {  	s16 =	sadd.s32 $0x1, s16  }
0x16f: {  	p0 =	sne.s32 s16, s12  }
.Ltmp9:
0x170: {  	_ = 	snop;
	(pc) =	sbr.rel @p0 .LBB2_1-.Ltmp9, $4  }
0x171: {  	[hbm4b:s11+s6] =	stream.linear.scatter [tilespmem:s6], [sflag:$0x1], $0xD100, $0x38;
	[tilespmem:$0x10540] =	vst v63  }
0x172: {  	_ =	swait.ge [sflag:s8], $0xD100  }
0x173: {  	[sflag:s8] =	ssyncset.done $0x0  }
0x174: {  	[sflag:s8] =	ssyncadd.s32 $0xFFFF2F00  }
0x175: {  	_ =	sfence.sel $0x180000  }
0x176: {  	[bflag:$0x0] =	sbarrier.arrive $0xFFFF  }
0x177: {  	p0 =	sne.s32 s0, $0x0;
	_ =	strace $0x90000047  }
0x178: {  	s0 =	sadd.s32 @!p0 $0x100000, s4;
	[bflag:$0x2] =	sbarrier.arrive $0xFFFF  }
0x179: {  	[sflag:s0] =	ssyncadd.tile.s32 @!p0 $0x1;
	_ =	shalt  }
.Lfunc_end2:
_tile_overlayer_lowered:
.L_overlay_start_2:
0x17a: {  	(tag) =	ssettag $0x2  }
0x17b: {  	s0 =	rddreg [dreg:$0x0];
	s2 =	stileid.u32  }
0x17c: {  	s1 =	rddreg [dreg:$0x1];
	p0 =	sne.s32 s2, $0x0  }
0x17d: {  	s3 =	rddreg [dreg:$0x2];
	[bflag:$0x3] =	sbarrier.arrive $0xFFFF;
	s2 =	simm.s32 @!p0 $0x1C03  }
0x17e: {  	[timem:s3], [sflag:s2] =	dma.local @!p0 [hbm:s0], s1  }
0x17f: {  	s0 =	simm.s32 @!p0 $0x3  }
0x180: {  	_ =	swait.ge @!p0 [sflag:s0], s1  }
0x181: {  	s1 =	ssub.s32 @!p0 $0x0, s1;
	[sflag:s0] =	ssyncset.done @!p0 $0x0  }
0x182: {  	[sflag:s0] =	ssyncadd.s32 @!p0 s1  }
0x183: {  	[bflag:$0x3] =	sbarrier.arrive $0xFFFF  }
0x184: {  	_ =	shalt  }

</sc_bundles>
